<compile_context>
chip_gen: v7x
topology: tpu7x:2x2x1
jax: 0.10.2.dev20260603
libtpu: 0.0.44.dev20260713+nightly
codegen_flags: <defaults>
</compile_context>

<pallas_src>
import functools

import jax
import jax.numpy as jnp
from jax.experimental import pallas as pl
from jax.experimental.pallas import tpu as pltpu
from jax.experimental.pallas import tpu_sc as plsc

_N = 4096
_F = 1024
_TA = 1024
_TB = 512
_K = 3

_P = jax.lax.Precision.DEFAULT
_HI = jax.lax.Precision.HIGHEST


def _stage_ab1(p_ref, w1t_ref, b1_ref, w2t_ref, b2_ref, w3t_ref, b3_ref,
               feat_ref, gmax_ref, idx_ref, dk_ref, x_s, xxc_s, xxt_s):
    i = pl.program_id(0)

    @pl.when(i == 0)
    def _():
        ones = jnp.ones((1, _F), jnp.float32)
        for c in range(_N // _TA):
            sl = pl.ds(c * _TA, _TA)
            p = p_ref[sl, :]
            f1 = jax.nn.relu(
                jnp.dot(p, w1t_ref[...], precision=_P) + b1_ref[...])
            f = jax.nn.relu(
                jnp.dot(f1, w2t_ref[...], precision=_P) + b2_ref[...])
            f2 = jax.nn.relu(
                jnp.dot(f, w3t_ref[...], precision=_P) + b3_ref[...])
            feat_ref[sl, :] = f
            x_s[sl, :] = f2
            y = f2 * f2
            xxc_s[sl, :] = jnp.sum(y, axis=1, keepdims=True)
            xxt_s[:, sl] = jax.lax.dot_general(
                ones, y, (((1,), (1,)), ((), ())), precision=_HI)
            m = jnp.max(f2, axis=0, keepdims=True)
            if c == 0:
                gmax_ref[...] = m
            else:
                gmax_ref[...] = jnp.maximum(gmax_ref[...], m)

    r0 = i * _TB
    x_t2 = x_s[pl.ds(r0, _TB), :] * jnp.float32(-2.0)
    dots2 = jax.lax.dot_general(
        x_t2, x_s[...], (((1,), (1,)), ((), ())), precision=_P)
    t = (xxc_s[pl.ds(r0, _TB), :] + dots2) + xxt_s[...]

    iota = jax.lax.broadcasted_iota(jnp.int32, (_TB, _N), 1)
    vals = t
    idxs = []
    negd = []
    for r in range(_K + 1):
        m = jnp.max(vals, axis=1, keepdims=True)
        selmask = vals == m
        if r > 0:
            idxr = jnp.min(
                jnp.where(selmask, iota, _N), axis=1, keepdims=True)
            idxs.append(idxr)
            negd.append(-m)
        if r < _K:
            vals = jnp.where(selmask, jnp.float32(-1e30), vals)
    idx_ref[...] = jnp.concatenate(idxs, axis=1)
    dk_ref[...] = jnp.concatenate(negd, axis=1)



def _make_sc_gather():
    nc, ns = 2, 16
    nw = nc * ns
    b_total = _N * _K
    b_per_w = b_total // nw
    mesh = plsc.VectorSubcoreMesh(
        core_axis_name="c", subcore_axis_name="s",
        num_cores=nc, num_subcores=ns)

    @functools.partial(
        pl.kernel, mesh=mesh,
        out_type=jax.ShapeDtypeStruct((b_total, 16), jnp.float32),
        compiler_params=pltpu.CompilerParams(use_tc_tiling_on_sc=False),
        scratch_types=[
            pltpu.VMEM((b_per_w,), jnp.int32),
            pltpu.VMEM((b_per_w, 16), jnp.float32),
            pltpu.SemaphoreType.DMA,
        ],
    )
    def sc_gather(table_hbm, idx_hbm, out_hbm, idx_v, rows_v, sem):
        wid = jax.lax.axis_index("s") * nc + jax.lax.axis_index("c")
        base = wid * b_per_w
        pltpu.sync_copy(idx_hbm.at[pl.ds(base, b_per_w)], idx_v)
        copies = [
            pltpu.async_copy(
                table_hbm.at[idx_v.at[pl.ds(j * 128, 128)]],
                rows_v.at[pl.ds(j * 128, 128), :], sem)
            for j in range(b_per_w // 128)
        ]
        for c in copies:
            c.wait()
        pltpu.sync_copy(rows_v, out_hbm.at[pl.ds(base, b_per_w)])

    return sc_gather


def _stage_b2(feat_ref, knn_ref, dk_ref, pts_ref, gmax_ref,
              w4at_ref, b4_ref, w4bt_ref, w4ct_ref, w5t_ref, b5_ref,
              w6t_ref, b6_ref, out_ref, b4eff_ref):
    i = pl.program_id(0)

    @pl.when(i == 0)
    def _():
        b4eff_ref[...] = (
            jnp.dot(gmax_ref[...], w4at_ref[...], precision=_HI)
            + b4_ref[...])

    p_t = pts_ref[...]
    parts = []
    for r in range(_K):
        rel = knn_ref[:, r * 16:r * 16 + 3] - p_t
        parts.append(rel)
        parts.append(dk_ref[:, r:r + 1])
    knn12 = jnp.concatenate(parts, axis=1)

    h = jax.nn.relu(
        jnp.dot(feat_ref[...], w4bt_ref[...], precision=_P)
        + jnp.dot(knn12, w4ct_ref[...], precision=_HI)
        + b4eff_ref[...])
    h2 = jax.nn.relu(jnp.dot(h, w5t_ref[...], precision=_P) + b5_ref[...])
    logits = jnp.dot(h2, w6t_ref[...], precision=_P) + b6_ref[...]
    out_ref[...] = jax.nn.softmax(logits, axis=-1)


def kernel(points, W1, b1, W2, b2, W3, b3, W4, b4, W5, b5, W6, b6):
    pts = points.reshape(_N, 3)
    w1t, w2t, w3t = W1.T, W2.T, W3.T
    w4at = W4[:, :_F].T
    w4bt = W4[:, _F:_F + 64].T
    w4ct = W4[:, _F + 64:].T
    w5t, w6t = W5.T, W6.T
    b1r, b2r, b3r = b1.reshape(1, -1), b2.reshape(1, -1), b3.reshape(1, -1)
    b4r, b5r, b6r = b4.reshape(1, -1), b5.reshape(1, -1), b6.reshape(1, -1)

    nb = _N // _TB
    feat, gmax, idx, dk = pl.pallas_call(
        _stage_ab1,
        grid=(nb,),
        in_specs=[
            pl.BlockSpec((_N, 3), lambda i: (0, 0)),
            pl.BlockSpec((3, 64), lambda i: (0, 0)),
            pl.BlockSpec((1, 64), lambda i: (0, 0)),
            pl.BlockSpec((64, 64), lambda i: (0, 0)),
            pl.BlockSpec((1, 64), lambda i: (0, 0)),
            pl.BlockSpec((64, _F), lambda i: (0, 0)),
            pl.BlockSpec((1, _F), lambda i: (0, 0)),
        ],
        out_specs=[
            pl.BlockSpec((_N, 64), lambda i: (0, 0)),
            pl.BlockSpec((1, _F), lambda i: (0, 0)),
            pl.BlockSpec((_TB, _K), lambda i: (i, 0)),
            pl.BlockSpec((_TB, _K), lambda i: (i, 0)),
        ],
        out_shape=[
            jax.ShapeDtypeStruct((_N, 64), jnp.float32),
            jax.ShapeDtypeStruct((1, _F), jnp.float32),
            jax.ShapeDtypeStruct((_N, _K), jnp.int32),
            jax.ShapeDtypeStruct((_N, _K), jnp.float32),
        ],
        scratch_shapes=[
            pltpu.VMEM((_N, _F), jnp.float32),
            pltpu.VMEM((_N, 1), jnp.float32),
            pltpu.VMEM((1, _N), jnp.float32),
        ],
        compiler_params=pltpu.CompilerParams(
            dimension_semantics=("arbitrary",)),
    )(pts, w1t, b1r, w2t, b2r, w3t, b3r)

    pts_pad = jnp.pad(pts, ((0, 0), (0, 13)))
    knn_rows = _make_sc_gather()(pts_pad, idx.reshape(_N * _K))
    knn48 = knn_rows.reshape(_N, _K * 16)

    out = pl.pallas_call(
        _stage_b2,
        grid=(nb,),
        in_specs=[
            pl.BlockSpec((_TB, 64), lambda i: (i, 0)),
            pl.BlockSpec((_TB, _K * 16), lambda i: (i, 0)),
            pl.BlockSpec((_TB, _K), lambda i: (i, 0)),
            pl.BlockSpec((_TB, 3), lambda i: (i, 0)),
            pl.BlockSpec((1, _F), lambda i: (0, 0)),
            pl.BlockSpec((_F, 512), lambda i: (0, 0)),
            pl.BlockSpec((1, 512), lambda i: (0, 0)),
            pl.BlockSpec((64, 512), lambda i: (0, 0)),
            pl.BlockSpec((12, 512), lambda i: (0, 0)),
            pl.BlockSpec((512, 256), lambda i: (0, 0)),
            pl.BlockSpec((1, 256), lambda i: (0, 0)),
            pl.BlockSpec((256, 6), lambda i: (0, 0)),
            pl.BlockSpec((1, 6), lambda i: (0, 0)),
        ],
        out_specs=pl.BlockSpec((_TB, 6), lambda i: (i, 0)),
        out_shape=jax.ShapeDtypeStruct((_N, 6), jnp.float32),
        scratch_shapes=[pltpu.VMEM((1, 512), jnp.float32)],
        compiler_params=pltpu.CompilerParams(
            dimension_semantics=("arbitrary",)),
    )(feat, knn48, dk, pts, gmax, w4at, b4r, w4bt, w4ct, w5t, b5r,
      w6t, b6r)
    return out

# --- scband reference (transcript-rebuilt; emitter-appended) ---
"""Pipeline reference for scband-seg-model-18614388261212 (READ-ONLY COPY).

The authoritative reference and input builder live on the scoring server;
editing this copy changes nothing except your own understanding.
"""

import jax, jax.numpy as jnp
import numpy as np

B, N, K = 1, 4096, 3
NUM_CLASSES = 6

def _linear_params(key, out_f, in_f):
    k1, k2 = jax.random.split(key)
    lim = 1.0 / np.sqrt(in_f)
    W = jax.random.uniform(k1, (out_f, in_f), minval=-lim, maxval=lim, dtype=jnp.float32)
    b = jax.random.uniform(k2, (out_f,), minval=-lim, maxval=lim, dtype=jnp.float32)
    return W, b

def setup_inputs(seed: int = 0):
    key = jax.random.key(seed)
    ks = jax.random.split(key, 8)
    points = jax.random.normal(ks[0], (B, N, 3), dtype=jnp.float32)
    W1, b1 = _linear_params(ks[1], 64, 3)
    W2, b2 = _linear_params(ks[2], 64, 64)
    W3, b3 = _linear_params(ks[3], 1024, 64)
    W4, b4 = _linear_params(ks[4], 512, 1100)
    W5, b5 = _linear_params(ks[5], 256, 512)
    W6, b6 = _linear_params(ks[6], NUM_CLASSES, 256)
    return {"points": points, "W1": W1, "b1": b1, "W2": W2, "b2": b2,
            "W3": W3, "b3": b3, "W4": W4, "b4": b4, "W5": W5, "b5": b5,
            "W6": W6, "b6": b6}

def reference(points, W1, b1, W2, b2, W3, b3, W4, b4, W5, b5, W6, b6):
    k = K
    Bs, Np, _ = points.shape
    # model1
    feature = jax.nn.relu(points @ W1.T + b1)
    feature = jax.nn.relu(feature @ W2.T + b2)
    # model2
    feature2 = jax.nn.relu(feature @ W3.T + b3)
    # KNN over flattened batch*points (faithful to original, incl. largest=False semantics)
    x = feature2.reshape(Bs * Np, -1)
    inner = -2.0 * (x @ x.T)
    xx = jnp.sum(x * x, axis=1, keepdims=True)
    pairwise_distance = -xx - inner - xx.T
    # torch topk(largest=False) == smallest values of pairwise_distance
    neg_vals, idx = jax.lax.top_k(-pairwise_distance, k + 1)
    dists = -neg_vals
    dists = dists[:, 1:].reshape(Bs, Np, k)
    idx = idx[:, 1:].reshape(Bs, Np, k)
    # gather neighbor points (B==1 so flat indices are valid along the N axis)
    knn_pts = points[jnp.arange(Bs)[:, None, None], idx]  # (B, N, k, 3)
    knn_feats = jnp.concatenate([knn_pts - points[:, :, None, :], dists[..., None]], axis=-1)
    knn_feats = knn_feats.reshape(Bs * Np, -1)
    outputs = jnp.max(feature2, axis=1, keepdims=True)
    outputs = jnp.tile(outputs, (1, Np, 1))
    newfeats = jnp.concatenate([outputs, feature], axis=2)
    newfeats = newfeats.reshape(Bs * Np, -1)
    newfeats = jnp.concatenate([newfeats, knn_feats], axis=1)
    newfeats = newfeats.reshape(Bs, Np, -1)
    # concatmodel (Dropout inactive in eval)
    h = jax.nn.relu(newfeats @ W4.T + b4)
    h = jax.nn.relu(h @ W5.T + b5)
    logits = h @ W6.T + b6
    preds = jax.nn.softmax(logits, axis=2)
    return jnp.squeeze(preds)

if __name__ == "__main__":
    import jax
    _d = setup_inputs()
    print(jax.jit(kernel)(*tuple(_d.values())))

</pallas_src>

<mosaic_0001>
#map = affine_map<(d0, d1) -> (0, 0)>
#map1 = affine_map<(d0, d1) -> (0)>
module attributes {stable_mosaic.version = 14 : i64} {
  func.func @sc_gather(%arg0: i32, %arg1: i32, %arg2: memref<4096x16xf32, #tpu.memory_space<hbm>>, %arg3: memref<12288xi32, #tpu.memory_space<hbm>>, %arg4: memref<12288x16xf32, #tpu.memory_space<hbm>>, %arg5: memref<384xi32, #tpu.memory_space<vmem>>, %arg6: memref<384x16xf32, #tpu.memory_space<vmem>>, %arg7: memref<!tpu.dma_semaphore, #tpu.memory_space<semaphore_mem>>) attributes {dimension_semantics = [#tpu.dimension_semantics<core_parallel>, #tpu.dimension_semantics<subcore_parallel>], iteration_bounds = array<i64: 2, 16>, scalar_prefetch = 0 : i64, scratch_operands = 3 : i64, tpu.core_type = #tpu.core_type<sc_vector_subcore>, window_params = [{transform_indices = #map}, {transform_indices = #map1}, {transform_indices = #map}]} {
    %mul3A = arith.constant 2 : i32
    %mul3A_0 = arith.muli %arg1, %mul3A : i32
    %add3A = arith.addi %mul3A_0, %arg0 : i32
    %mul3A_1 = arith.constant 384 : i32
    %mul3A_2 = arith.muli %add3A, %mul3A_1 : i32
    "tpu.region"() ({
      %run_scoped3A = tpu.sem_alloc : memref<!tpu.dma_semaphore, #tpu.memory_space<semaphore_mem>>
      %dma_start3A_49 = tpu.memref_slice %arg3[%mul3A_2] : memref<12288xi32, #tpu.memory_space<hbm>> -> memref<384xi32, #tpu.memory_space<hbm>>
      %dma_start3A_50 = tpu.memref_slice %arg3[%mul3A_2] : memref<12288xi32, #tpu.memory_space<hbm>> -> memref<384xi32, #tpu.memory_space<hbm>>
      tpu.enqueue_dma source(%dma_start3A_50 : memref<384xi32, #tpu.memory_space<hbm>>) target(%arg5 : memref<384xi32, #tpu.memory_space<vmem>>) target_semaphore(%run_scoped3A : memref<!tpu.dma_semaphore, #tpu.memory_space<semaphore_mem>>)
      %dma_wait3A_51 = tpu.memref_slice %arg3[%mul3A_2] : memref<12288xi32, #tpu.memory_space<hbm>> -> memref<384xi32, #tpu.memory_space<hbm>>
      %dma_wait3A_52 = tpu.memref_slice %arg3[%mul3A_2] : memref<12288xi32, #tpu.memory_space<hbm>> -> memref<384xi32, #tpu.memory_space<hbm>>
      tpu.wait_dma2 semaphore(%run_scoped3A : memref<!tpu.dma_semaphore, #tpu.memory_space<semaphore_mem>>) src(%dma_wait3A_52 : memref<384xi32, #tpu.memory_space<hbm>>) dst(%arg5 : memref<384xi32, #tpu.memory_space<vmem>>)
      tpu.yield
    }) : () -> ()
    %dma_start3A = arith.constant 0 : i32
    %dma_start3A_3 = arith.constant 0 : i32
    %dma_start3A_4 = tpu.memref_slice %arg6[%dma_start3A, %dma_start3A_3] : memref<384x16xf32, #tpu.memory_space<vmem>> -> memref<128x16xf32, #tpu.memory_space<vmem>>
    %dma_start3A_5 = arith.constant 0 : i32
    %dma_start3A_6 = tpu.memref_slice %arg5[%dma_start3A_5] : memref<384xi32, #tpu.memory_space<vmem>> -> memref<128xi32, #tpu.memory_space<vmem>>
    %dma_start3A_7 = arith.constant 0 : i32
    %dma_start3A_8 = arith.constant 0 : i32
    %dma_start3A_9 = tpu.memref_slice %arg2[%dma_start3A_7, %dma_start3A_8] : memref<4096x16xf32, #tpu.memory_space<hbm>> -> memref<4096x16xf32, #tpu.memory_space<hbm>>
    tpu.enqueue_indirect_dma source(%dma_start3A_9 : memref<4096x16xf32, #tpu.memory_space<hbm>>) target(%dma_start3A_4 : memref<128x16xf32, #tpu.memory_space<vmem>>) offsets(%dma_start3A_6 : memref<128xi32, #tpu.memory_space<vmem>>) semaphore(%arg7 : memref<!tpu.dma_semaphore, #tpu.memory_space<semaphore_mem>>)
    %dma_start3A_10 = arith.constant 128 : i32
    %dma_start3A_11 = arith.constant 0 : i32
    %dma_start3A_12 = tpu.memref_slice %arg6[%dma_start3A_10, %dma_start3A_11] : memref<384x16xf32, #tpu.memory_space<vmem>> -> memref<128x16xf32, #tpu.memory_space<vmem>>
    %dma_start3A_13 = arith.constant 128 : i32
    %dma_start3A_14 = tpu.memref_slice %arg5[%dma_start3A_13] : memref<384xi32, #tpu.memory_space<vmem>> -> memref<128xi32, #tpu.memory_space<vmem>>
    %dma_start3A_15 = arith.constant 0 : i32
    %dma_start3A_16 = arith.constant 0 : i32
    %dma_start3A_17 = tpu.memref_slice %arg2[%dma_start3A_15, %dma_start3A_16] : memref<4096x16xf32, #tpu.memory_space<hbm>> -> memref<4096x16xf32, #tpu.memory_space<hbm>>
    tpu.enqueue_indirect_dma source(%dma_start3A_17 : memref<4096x16xf32, #tpu.memory_space<hbm>>) target(%dma_start3A_12 : memref<128x16xf32, #tpu.memory_space<vmem>>) offsets(%dma_start3A_14 : memref<128xi32, #tpu.memory_space<vmem>>) semaphore(%arg7 : memref<!tpu.dma_semaphore, #tpu.memory_space<semaphore_mem>>)
    %dma_start3A_18 = arith.constant 256 : i32
    %dma_start3A_19 = arith.constant 0 : i32
    %dma_start3A_20 = tpu.memref_slice %arg6[%dma_start3A_18, %dma_start3A_19] : memref<384x16xf32, #tpu.memory_space<vmem>> -> memref<128x16xf32, #tpu.memory_space<vmem>>
    %dma_start3A_21 = arith.constant 256 : i32
    %dma_start3A_22 = tpu.memref_slice %arg5[%dma_start3A_21] : memref<384xi32, #tpu.memory_space<vmem>> -> memref<128xi32, #tpu.memory_space<vmem>>
    %dma_start3A_23 = arith.constant 0 : i32
    %dma_start3A_24 = arith.constant 0 : i32
    %dma_start3A_25 = tpu.memref_slice %arg2[%dma_start3A_23, %dma_start3A_24] : memref<4096x16xf32, #tpu.memory_space<hbm>> -> memref<4096x16xf32, #tpu.memory_space<hbm>>
    tpu.enqueue_indirect_dma source(%dma_start3A_25 : memref<4096x16xf32, #tpu.memory_space<hbm>>) target(%dma_start3A_20 : memref<128x16xf32, #tpu.memory_space<vmem>>) offsets(%dma_start3A_22 : memref<128xi32, #tpu.memory_space<vmem>>) semaphore(%arg7 : memref<!tpu.dma_semaphore, #tpu.memory_space<semaphore_mem>>)
    %dma_wait3A = arith.constant 0 : i32
    %dma_wait3A_26 = arith.constant 0 : i32
    %dma_wait3A_27 = tpu.memref_slice %arg6[%dma_wait3A, %dma_wait3A_26] : memref<384x16xf32, #tpu.memory_space<vmem>> -> memref<128x16xf32, #tpu.memory_space<vmem>>
    %dma_wait3A_28 = arith.constant 0 : i32
    %dma_wait3A_29 = tpu.memref_slice %arg5[%dma_wait3A_28] : memref<384xi32, #tpu.memory_space<vmem>> -> memref<128xi32, #tpu.memory_space<vmem>>
    %dma_wait3A_30 = arith.constant 0 : i32
    %dma_wait3A_31 = arith.constant 0 : i32
    %dma_wait3A_32 = tpu.memref_slice %arg2[%dma_wait3A_30, %dma_wait3A_31] : memref<4096x16xf32, #tpu.memory_space<hbm>> -> memref<4096x16xf32, #tpu.memory_space<hbm>>
    tpu.wait_indirect_dma semaphore(%arg7 : memref<!tpu.dma_semaphore, #tpu.memory_space<semaphore_mem>>) src(%dma_wait3A_32 : memref<4096x16xf32, #tpu.memory_space<hbm>>) dst(%dma_wait3A_27 : memref<128x16xf32, #tpu.memory_space<vmem>>)
    %dma_wait3A_33 = arith.constant 128 : i32
    %dma_wait3A_34 = arith.constant 0 : i32
    %dma_wait3A_35 = tpu.memref_slice %arg6[%dma_wait3A_33, %dma_wait3A_34] : memref<384x16xf32, #tpu.memory_space<vmem>> -> memref<128x16xf32, #tpu.memory_space<vmem>>
    %dma_wait3A_36 = arith.constant 128 : i32
    %dma_wait3A_37 = tpu.memref_slice %arg5[%dma_wait3A_36] : memref<384xi32, #tpu.memory_space<vmem>> -> memref<128xi32, #tpu.memory_space<vmem>>
    %dma_wait3A_38 = arith.constant 0 : i32
    %dma_wait3A_39 = arith.constant 0 : i32
    %dma_wait3A_40 = tpu.memref_slice %arg2[%dma_wait3A_38, %dma_wait3A_39] : memref<4096x16xf32, #tpu.memory_space<hbm>> -> memref<4096x16xf32, #tpu.memory_space<hbm>>
    tpu.wait_indirect_dma semaphore(%arg7 : memref<!tpu.dma_semaphore, #tpu.memory_space<semaphore_mem>>) src(%dma_wait3A_40 : memref<4096x16xf32, #tpu.memory_space<hbm>>) dst(%dma_wait3A_35 : memref<128x16xf32, #tpu.memory_space<vmem>>)
    %dma_wait3A_41 = arith.constant 256 : i32
    %dma_wait3A_42 = arith.constant 0 : i32
    %dma_wait3A_43 = tpu.memref_slice %arg6[%dma_wait3A_41, %dma_wait3A_42] : memref<384x16xf32, #tpu.memory_space<vmem>> -> memref<128x16xf32, #tpu.memory_space<vmem>>
    %dma_wait3A_44 = arith.constant 256 : i32
    %dma_wait3A_45 = tpu.memref_slice %arg5[%dma_wait3A_44] : memref<384xi32, #tpu.memory_space<vmem>> -> memref<128xi32, #tpu.memory_space<vmem>>
    %dma_wait3A_46 = arith.constant 0 : i32
    %dma_wait3A_47 = arith.constant 0 : i32
    %dma_wait3A_48 = tpu.memref_slice %arg2[%dma_wait3A_46, %dma_wait3A_47] : memref<4096x16xf32, #tpu.memory_space<hbm>> -> memref<4096x16xf32, #tpu.memory_space<hbm>>
    tpu.wait_indirect_dma semaphore(%arg7 : memref<!tpu.dma_semaphore, #tpu.memory_space<semaphore_mem>>) src(%dma_wait3A_48 : memref<4096x16xf32, #tpu.memory_space<hbm>>) dst(%dma_wait3A_43 : memref<128x16xf32, #tpu.memory_space<vmem>>)
    "tpu.region"() ({
      %run_scoped3A = tpu.sem_alloc : memref<!tpu.dma_semaphore, #tpu.memory_space<semaphore_mem>>
      %dma_start3A_49 = arith.constant 0 : i32
      %dma_start3A_50 = tpu.memref_slice %arg4[%mul3A_2, %dma_start3A_49] : memref<12288x16xf32, #tpu.memory_space<hbm>> -> memref<384x16xf32, #tpu.memory_space<hbm>>
      %dma_start3A_51 = arith.constant 0 : i32
      %dma_start3A_52 = tpu.memref_slice %arg4[%mul3A_2, %dma_start3A_51] : memref<12288x16xf32, #tpu.memory_space<hbm>> -> memref<384x16xf32, #tpu.memory_space<hbm>>
      tpu.enqueue_dma source(%arg6 : memref<384x16xf32, #tpu.memory_space<vmem>>) target(%dma_start3A_52 : memref<384x16xf32, #tpu.memory_space<hbm>>) target_semaphore(%run_scoped3A : memref<!tpu.dma_semaphore, #tpu.memory_space<semaphore_mem>>)
      %dma_wait3A_53 = arith.constant 0 : i32
      %dma_wait3A_54 = tpu.memref_slice %arg4[%mul3A_2, %dma_wait3A_53] : memref<12288x16xf32, #tpu.memory_space<hbm>> -> memref<384x16xf32, #tpu.memory_space<hbm>>
      %dma_wait3A_55 = arith.constant 0 : i32
      %dma_wait3A_56 = tpu.memref_slice %arg4[%mul3A_2, %dma_wait3A_55] : memref<12288x16xf32, #tpu.memory_space<hbm>> -> memref<384x16xf32, #tpu.memory_space<hbm>>
      tpu.wait_dma2 semaphore(%run_scoped3A : memref<!tpu.dma_semaphore, #tpu.memory_space<semaphore_mem>>) src(%arg6 : memref<384x16xf32, #tpu.memory_space<vmem>>) dst(%dma_wait3A_56 : memref<384x16xf32, #tpu.memory_space<hbm>>)
      tpu.yield
    }) : () -> ()
    return
  }
}

module attributes {stable_mosaic.version = 14 : i64} {
  func.func @_stage_ab1(%arg0: i32, %arg1: memref<4096x3xf32, #tpu.memory_space<vmem>>, %arg2: memref<3x64xf32, #tpu.memory_space<vmem>>, %arg3: memref<1x64xf32, #tpu.memory_space<vmem>>, %arg4: memref<64x64xf32, #tpu.memory_space<vmem>>, %arg5: memref<1x64xf32, #tpu.memory_space<vmem>>, %arg6: memref<64x1024xf32, #tpu.memory_space<vmem>>, %arg7: memref<1x1024xf32, #tpu.memory_space<vmem>>, %arg8: memref<4096x64xf32, #tpu.memory_space<vmem>>, %arg9: memref<1x1024xf32, #tpu.memory_space<vmem>>, %arg10: memref<512x3xi32, #tpu.memory_space<vmem>>, %arg11: memref<512x3xf32, #tpu.memory_space<vmem>>, %arg12: memref<4096x1024xf32, #tpu.memory_space<vmem>>, %arg13: memref<4096x1xf32, #tpu.memory_space<vmem>>, %arg14: memref<1x4096xf32, #tpu.memory_space<vmem>>) attributes {dimension_semantics = [#tpu.dimension_semantics<arbitrary>], iteration_bounds = array<i64: 8>, scalar_prefetch = 0 : i64, scratch_operands = 3 : i64, tpu.core_type = #tpu.core_type<tc>, window_params = [{pipeline_mode = #tpu.pipeline_mode<synchronous>, transform_indices = @transform_0, window_bounds = array<i64: 4096, 3>}, {pipeline_mode = #tpu.pipeline_mode<synchronous>, transform_indices = @transform_1, window_bounds = array<i64: 3, 64>}, {pipeline_mode = #tpu.pipeline_mode<synchronous>, transform_indices = @transform_2, window_bounds = array<i64: 1, 64>}, {pipeline_mode = #tpu.pipeline_mode<synchronous>, transform_indices = @transform_3, window_bounds = array<i64: 64, 64>}, {pipeline_mode = #tpu.pipeline_mode<synchronous>, transform_indices = @transform_4, window_bounds = array<i64: 1, 64>}, {pipeline_mode = #tpu.pipeline_mode<synchronous>, transform_indices = @transform_5, window_bounds = array<i64: 64, 1024>}, {pipeline_mode = #tpu.pipeline_mode<synchronous>, transform_indices = @transform_6, window_bounds = array<i64: 1, 1024>}, {pipeline_mode = #tpu.pipeline_mode<synchronous>, transform_indices = @transform_7, window_bounds = array<i64: 4096, 64>}, {pipeline_mode = #tpu.pipeline_mode<synchronous>, transform_indices = @transform_8, window_bounds = array<i64: 1, 1024>}, {transform_indices = @transform_9, window_bounds = array<i64: 512, 3>}, {transform_indices = @transform_10, window_bounds = array<i64: 512, 3>}]} {
    %eq3A = arith.constant 0 : i32
    %eq3A_0 = arith.cmpi eq, %arg0, %eq3A : i32
    %convert_element_type3A = arith.extui %eq3A_0 : i1 to i32
    %cond3A = arith.constant 0 : i32
    %cond3A_1 = arith.cmpi ne, %convert_element_type3A, %cond3A : i32
    scf.if %cond3A_1 {
      %broadcast_in_dim3A_77 = arith.constant 1.000000e+00 : f32
      %broadcast_in_dim3A_78 = vector.broadcast %broadcast_in_dim3A_77 : f32 to vector<1x1024xf32>
      %get3A_79 = arith.constant 0 : index
      %get3A_80 = arith.constant 0 : index
      %get3A_81 = vector.load %arg1[%get3A_79, %get3A_80] : memref<4096x3xf32, #tpu.memory_space<vmem>>, vector<1024x3xf32>
      %get3A_82 = arith.constant 0 : index
      %get3A_83 = arith.constant 0 : index
      %get3A_84 = vector.load %arg2[%get3A_82, %get3A_83] : memref<3x64xf32, #tpu.memory_space<vmem>>, vector<3x64xf32>
      %dot_general3A_85 = arith.constant dense<0.000000e+00> : vector<1024x64xf32>
      %dot_general3A_86 = tpu.matmul %get3A_81, %get3A_84, %dot_general3A_85 {dimension_numbers = #tpu.dot_dimension_numbers<[1], [0], [0], [1], [0, 0, 1, 1], [], []>, transpose_lhs_hint = false} : vector<1024x3xf32>, vector<3x64xf32>, vector<1024x64xf32> -> vector<1024x64xf32>
      %get3A_87 = arith.constant 0 : index
      %get3A_88 = arith.constant 0 : index
      %get3A_89 = vector.load %arg3[%get3A_87, %get3A_88] : memref<1x64xf32, #tpu.memory_space<vmem>>, vector<1x64xf32>
      %add3A_90 = vector.broadcast %get3A_89 : vector<1x64xf32> to vector<1024x64xf32>
      %add3A_91 = arith.addf %dot_general3A_86, %add3A_90 : vector<1024x64xf32>
      %max3A = arith.constant 0.000000e+00 : f32
      %max3A_92 = vector.broadcast %max3A : f32 to vector<1024x64xf32>
      %max3A_93 = arith.maximumf %add3A_91, %max3A_92 : vector<1024x64xf32>
      %get3A_94 = arith.constant 0 : index
      %get3A_95 = arith.constant 0 : index
      %get3A_96 = vector.load %arg4[%get3A_94, %get3A_95] : memref<64x64xf32, #tpu.memory_space<vmem>>, vector<64x64xf32>
      %dot_general3A_97 = arith.constant dense<0.000000e+00> : vector<1024x64xf32>
      %dot_general3A_98 = tpu.matmul %max3A_93, %get3A_96, %dot_general3A_97 {dimension_numbers = #tpu.dot_dimension_numbers<[1], [0], [0], [1], [0, 0, 1, 1], [], []>, transpose_lhs_hint = false} : vector<1024x64xf32>, vector<64x64xf32>, vector<1024x64xf32> -> vector<1024x64xf32>
      %get3A_99 = arith.constant 0 : index
      %get3A_100 = arith.constant 0 : index
      %get3A_101 = vector.load %arg5[%get3A_99, %get3A_100] : memref<1x64xf32, #tpu.memory_space<vmem>>, vector<1x64xf32>
      %add3A_102 = vector.broadcast %get3A_101 : vector<1x64xf32> to vector<1024x64xf32>
      %add3A_103 = arith.addf %dot_general3A_98, %add3A_102 : vector<1024x64xf32>
      %max3A_104 = arith.constant 0.000000e+00 : f32
      %max3A_105 = vector.broadcast %max3A_104 : f32 to vector<1024x64xf32>
      %max3A_106 = arith.maximumf %add3A_103, %max3A_105 : vector<1024x64xf32>
      %get3A_107 = arith.constant 0 : index
      %get3A_108 = arith.constant 0 : index
      %get3A_109 = vector.load %arg6[%get3A_107, %get3A_108] : memref<64x1024xf32, #tpu.memory_space<vmem>>, vector<64x1024xf32>
      %dot_general3A_110 = arith.constant dense<0.000000e+00> : vector<1024x1024xf32>
      %dot_general3A_111 = tpu.matmul %max3A_106, %get3A_109, %dot_general3A_110 {dimension_numbers = #tpu.dot_dimension_numbers<[1], [0], [0], [1], [0, 0, 1, 1], [], []>, transpose_lhs_hint = false} : vector<1024x64xf32>, vector<64x1024xf32>, vector<1024x1024xf32> -> vector<1024x1024xf32>
      %get3A_112 = arith.constant 0 : index
      %get3A_113 = arith.constant 0 : index
      %get3A_114 = vector.load %arg7[%get3A_112, %get3A_113] : memref<1x1024xf32, #tpu.memory_space<vmem>>, vector<1x1024xf32>
      %add3A_115 = vector.broadcast %get3A_114 : vector<1x1024xf32> to vector<1024x1024xf32>
      %add3A_116 = arith.addf %dot_general3A_111, %add3A_115 : vector<1024x1024xf32>
      %max3A_117 = arith.constant 0.000000e+00 : f32
      %max3A_118 = vector.broadcast %max3A_117 : f32 to vector<1024x1024xf32>
      %max3A_119 = arith.maximumf %add3A_116, %max3A_118 : vector<1024x1024xf32>
      %swap3A_120 = arith.constant 0 : index
      %swap3A_121 = arith.constant 0 : index
      %swap3A_122 = vector.load %arg8[%swap3A_120, %swap3A_121] : memref<4096x64xf32, #tpu.memory_space<vmem>>, vector<1024x64xf32>
      tpu.vector_store %arg8[%swap3A_120, %swap3A_121], %max3A_106 {strides = array<i32>} : memref<4096x64xf32, #tpu.memory_space<vmem>>, vector<1024x64xf32>,
      %swap3A_123 = arith.constant 0 : index
      %swap3A_124 = arith.constant 0 : index
      %swap3A_125 = vector.load %arg12[%swap3A_123, %swap3A_124] : memref<4096x1024xf32, #tpu.memory_space<vmem>>, vector<1024x1024xf32>
      tpu.vector_store %arg12[%swap3A_123, %swap3A_124], %max3A_119 {strides = array<i32>} : memref<4096x1024xf32, #tpu.memory_space<vmem>>, vector<1024x1024xf32>,
      %mul3A_126 = arith.mulf %max3A_119, %max3A_119 : vector<1024x1024xf32>
      %reduce_sum3A = arith.constant dense<0.000000e+00> : vector<1024xf32>
      %reduce_sum3A_127 = vector.multi_reduction <add>, %mul3A_126, %reduce_sum3A [1] : vector<1024x1024xf32> to vector<1024xf32>
      %broadcast_in_dim3A_128 = vector.shape_cast %reduce_sum3A_127 : vector<1024xf32> to vector<1024x1xf32>
      %swap3A_129 = arith.constant 0 : index
      %swap3A_130 = arith.constant 0 : index
      %swap3A_131 = vector.load %arg13[%swap3A_129, %swap3A_130] : memref<4096x1xf32, #tpu.memory_space<vmem>>, vector<1024x1xf32>
      tpu.vector_store %arg13[%swap3A_129, %swap3A_130], %broadcast_in_dim3A_128 {strides = array<i32>} : memref<4096x1xf32, #tpu.memory_space<vmem>>, vector<1024x1xf32>,
      %dot_general3A_132 = arith.constant dense<0.000000e+00> : vector<1x1024xf32>
      %dot_general3A_133 = tpu.matmul %broadcast_in_dim3A_78, %mul3A_126, %dot_general3A_132 {dimension_numbers = #tpu.dot_dimension_numbers<[1], [1], [0], [0], [0, 0, 1, 0], [], []>, precision = #tpu.contract_precision<fp32>, transpose_lhs_hint = false} : vector<1x1024xf32>, vector<1024x1024xf32>, vector<1x1024xf32> -> vector<1x1024xf32>
      %swap3A_134 = arith.constant 0 : index
      %swap3A_135 = arith.constant 0 : index
      %swap3A_136 = vector.load %arg14[%swap3A_134, %swap3A_135] : memref<1x4096xf32, #tpu.memory_space<vmem>>, vector<1x1024xf32>
      tpu.vector_store %arg14[%swap3A_134, %swap3A_135], %dot_general3A_133 {strides = array<i32>} : memref<1x4096xf32, #tpu.memory_space<vmem>>, vector<1x1024xf32>,
      %reduce_max3A_137 = arith.constant dense<0xFF800000> : vector<1024xf32>
      %reduce_max3A_138 = vector.multi_reduction <maximumf>, %max3A_119, %reduce_max3A_137 [0] : vector<1024x1024xf32> to vector<1024xf32>
      %broadcast_in_dim3A_139 = vector.shape_cast %reduce_max3A_138 : vector<1024xf32> to vector<1x1024xf32>
      %swap3A_140 = arith.constant 0 : index
      %swap3A_141 = arith.constant 0 : index
      %swap3A_142 = vector.load %arg9[%swap3A_140, %swap3A_141] : memref<1x1024xf32, #tpu.memory_space<vmem>>, vector<1x1024xf32>
      tpu.vector_store %arg9[%swap3A_140, %swap3A_141], %broadcast_in_dim3A_139 {strides = array<i32>} : memref<1x1024xf32, #tpu.memory_space<vmem>>, vector<1x1024xf32>,
      %get3A_143 = arith.constant 1024 : index
      %get3A_144 = arith.constant 0 : index
      %get3A_145 = vector.load %arg1[%get3A_143, %get3A_144] : memref<4096x3xf32, #tpu.memory_space<vmem>>, vector<1024x3xf32>
      %get3A_146 = arith.constant 0 : index
      %get3A_147 = arith.constant 0 : index
      %get3A_148 = vector.load %arg2[%get3A_146, %get3A_147] : memref<3x64xf32, #tpu.memory_space<vmem>>, vector<3x64xf32>
      %dot_general3A_149 = arith.constant dense<0.000000e+00> : vector<1024x64xf32>
      %dot_general3A_150 = tpu.matmul %get3A_145, %get3A_148, %dot_general3A_149 {dimension_numbers = #tpu.dot_dimension_numbers<[1], [0], [0], [1], [0, 0, 1, 1], [], []>, transpose_lhs_hint = false} : vector<1024x3xf32>, vector<3x64xf32>, vector<1024x64xf32> -> vector<1024x64xf32>
      %get3A_151 = arith.constant 0 : index
      %get3A_152 = arith.constant 0 : index
      %get3A_153 = vector.load %arg3[%get3A_151, %get3A_152] : memref<1x64xf32, #tpu.memory_space<vmem>>, vector<1x64xf32>
      %add3A_154 = vector.broadcast %get3A_153 : vector<1x64xf32> to vector<1024x64xf32>
      %add3A_155 = arith.addf %dot_general3A_150, %add3A_154 : vector<1024x64xf32>
      %max3A_156 = arith.constant 0.000000e+00 : f32
      %max3A_157 = vector.broadcast %max3A_156 : f32 to vector<1024x64xf32>
      %max3A_158 = arith.maximumf %add3A_155, %max3A_157 : vector<1024x64xf32>
      %get3A_159 = arith.constant 0 : index
      %get3A_160 = arith.constant 0 : index
      %get3A_161 = vector.load %arg4[%get3A_159, %get3A_160] : memref<64x64xf32, #tpu.memory_space<vmem>>, vector<64x64xf32>
      %dot_general3A_162 = arith.constant dense<0.000000e+00> : vector<1024x64xf32>
      %dot_general3A_163 = tpu.matmul %max3A_158, %get3A_161, %dot_general3A_162 {dimension_numbers = #tpu.dot_dimension_numbers<[1], [0], [0], [1], [0, 0, 1, 1], [], []>, transpose_lhs_hint = false} : vector<1024x64xf32>, vector<64x64xf32>, vector<1024x64xf32> -> vector<1024x64xf32>
      %get3A_164 = arith.constant 0 : index
      %get3A_165 = arith.constant 0 : index
      %get3A_166 = vector.load %arg5[%get3A_164, %get3A_165] : memref<1x64xf32, #tpu.memory_space<vmem>>, vector<1x64xf32>
      %add3A_167 = vector.broadcast %get3A_166 : vector<1x64xf32> to vector<1024x64xf32>
      %add3A_168 = arith.addf %dot_general3A_163, %add3A_167 : vector<1024x64xf32>
      %max3A_169 = arith.constant 0.000000e+00 : f32
      %max3A_170 = vector.broadcast %max3A_169 : f32 to vector<1024x64xf32>
      %max3A_171 = arith.maximumf %add3A_168, %max3A_170 : vector<1024x64xf32>
      %get3A_172 = arith.constant 0 : index
      %get3A_173 = arith.constant 0 : index
      %get3A_174 = vector.load %arg6[%get3A_172, %get3A_173] : memref<64x1024xf32, #tpu.memory_space<vmem>>, vector<64x1024xf32>
      %dot_general3A_175 = arith.constant dense<0.000000e+00> : vector<1024x1024xf32>
      %dot_general3A_176 = tpu.matmul %max3A_171, %get3A_174, %dot_general3A_175 {dimension_numbers = #tpu.dot_dimension_numbers<[1], [0], [0], [1], [0, 0, 1, 1], [], []>, transpose_lhs_hint = false} : vector<1024x64xf32>, vector<64x1024xf32>, vector<1024x1024xf32> -> vector<1024x1024xf32>
      %get3A_177 = arith.constant 0 : index
      %get3A_178 = arith.constant 0 : index
      %get3A_179 = vector.load %arg7[%get3A_177, %get3A_178] : memref<1x1024xf32, #tpu.memory_space<vmem>>, vector<1x1024xf32>
      %add3A_180 = vector.broadcast %get3A_179 : vector<1x1024xf32> to vector<1024x1024xf32>
      %add3A_181 = arith.addf %dot_general3A_176, %add3A_180 : vector<1024x1024xf32>
      %max3A_182 = arith.constant 0.000000e+00 : f32
      %max3A_183 = vector.broadcast %max3A_182 : f32 to vector<1024x1024xf32>
      %max3A_184 = arith.maximumf %add3A_181, %max3A_183 : vector<1024x1024xf32>
      %swap3A_185 = arith.constant 1024 : index
      %swap3A_186 = arith.constant 0 : index
      %swap3A_187 = vector.load %arg8[%swap3A_185, %swap3A_186] : memref<4096x64xf32, #tpu.memory_space<vmem>>, vector<1024x64xf32>
      tpu.vector_store %arg8[%swap3A_185, %swap3A_186], %max3A_171 {strides = array<i32>} : memref<4096x64xf32, #tpu.memory_space<vmem>>, vector<1024x64xf32>,
      %swap3A_188 = arith.constant 1024 : index
      %swap3A_189 = arith.constant 0 : index
      %swap3A_190 = vector.load %arg12[%swap3A_188, %swap3A_189] : memref<4096x1024xf32, #tpu.memory_space<vmem>>, vector<1024x1024xf32>
      tpu.vector_store %arg12[%swap3A_188, %swap3A_189], %max3A_184 {strides = array<i32>} : memref<4096x1024xf32, #tpu.memory_space<vmem>>, vector<1024x1024xf32>,
      %mul3A_191 = arith.mulf %max3A_184, %max3A_184 : vector<1024x1024xf32>
      %reduce_sum3A_192 = arith.constant dense<0.000000e+00> : vector<1024xf32>
      %reduce_sum3A_193 = vector.multi_reduction <add>, %mul3A_191, %reduce_sum3A_192 [1] : vector<1024x1024xf32> to vector<1024xf32>
      %broadcast_in_dim3A_194 = vector.shape_cast %reduce_sum3A_193 : vector<1024xf32> to vector<1024x1xf32>
      %swap3A_195 = arith.constant 1024 : index
      %swap3A_196 = arith.constant 0 : index
      %swap3A_197 = vector.load %arg13[%swap3A_195, %swap3A_196] : memref<4096x1xf32, #tpu.memory_space<vmem>>, vector<1024x1xf32>
      tpu.vector_store %arg13[%swap3A_195, %swap3A_196], %broadcast_in_dim3A_194 {strides = array<i32>} : memref<4096x1xf32, #tpu.memory_space<vmem>>, vector<1024x1xf32>,
      %dot_general3A_198 = arith.constant dense<0.000000e+00> : vector<1x1024xf32>
      %dot_general3A_199 = tpu.matmul %broadcast_in_dim3A_78, %mul3A_191, %dot_general3A_198 {dimension_numbers = #tpu.dot_dimension_numbers<[1], [1], [0], [0], [0, 0, 1, 0], [], []>, precision = #tpu.contract_precision<fp32>, transpose_lhs_hint = false} : vector<1x1024xf32>, vector<1024x1024xf32>, vector<1x1024xf32> -> vector<1x1024xf32>
      %swap3A_200 = arith.constant 0 : index
      %swap3A_201 = arith.constant 1024 : index
      %swap3A_202 = vector.load %arg14[%swap3A_200, %swap3A_201] : memref<1x4096xf32, #tpu.memory_space<vmem>>, vector<1x1024xf32>
      tpu.vector_store %arg14[%swap3A_200, %swap3A_201], %dot_general3A_199 {strides = array<i32>} : memref<1x4096xf32, #tpu.memory_space<vmem>>, vector<1x1024xf32>,
      %reduce_max3A_203 = arith.constant dense<0xFF800000> : vector<1024xf32>
      %reduce_max3A_204 = vector.multi_reduction <maximumf>, %max3A_184, %reduce_max3A_203 [0] : vector<1024x1024xf32> to vector<1024xf32>
      %broadcast_in_dim3A_205 = vector.shape_cast %reduce_max3A_204 : vector<1024xf32> to vector<1x1024xf32>
      %get3A_206 = arith.constant 0 : index
      %get3A_207 = arith.constant 0 : index
      %get3A_208 = vector.load %arg9[%get3A_206, %get3A_207] : memref<1x1024xf32, #tpu.memory_space<vmem>>, vector<1x1024xf32>
      %max3A_209 = arith.maximumf %get3A_208, %broadcast_in_dim3A_205 : vector<1x1024xf32>
      %swap3A_210 = arith.constant 0 : index
      %swap3A_211 = arith.constant 0 : index
      %swap3A_212 = vector.load %arg9[%swap3A_210, %swap3A_211] : memref<1x1024xf32, #tpu.memory_space<vmem>>, vector<1x1024xf32>
      tpu.vector_store %arg9[%swap3A_210, %swap3A_211], %max3A_209 {strides = array<i32>} : memref<1x1024xf32, #tpu.memory_space<vmem>>, vector<1x1024xf32>,
      %get3A_213 = arith.constant 2048 : index
      %get3A_214 = arith.constant 0 : index
      %get3A_215 = vector.load %arg1[%get3A_213, %get3A_214] : memref<4096x3xf32, #tpu.memory_space<vmem>>, vector<1024x3xf32>
      %get3A_216 = arith.constant 0 : index
      %get3A_217 = arith.constant 0 : index
      %get3A_218 = vector.load %arg2[%get3A_216, %get3A_217] : memref<3x64xf32, #tpu.memory_space<vmem>>, vector<3x64xf32>
      %dot_general3A_219 = arith.constant dense<0.000000e+00> : vector<1024x64xf32>
      %dot_general3A_220 = tpu.matmul %get3A_215, %get3A_218, %dot_general3A_219 {dimension_numbers = #tpu.dot_dimension_numbers<[1], [0], [0], [1], [0, 0, 1, 1], [], []>, transpose_lhs_hint = false} : vector<1024x3xf32>, vector<3x64xf32>, vector<1024x64xf32> -> vector<1024x64xf32>
      %get3A_221 = arith.constant 0 : index
      %get3A_222 = arith.constant 0 : index
      %get3A_223 = vector.load %arg3[%get3A_221, %get3A_222] : memref<1x64xf32, #tpu.memory_space<vmem>>, vector<1x64xf32>
      %add3A_224 = vector.broadcast %get3A_223 : vector<1x64xf32> to vector<1024x64xf32>
      %add3A_225 = arith.addf %dot_general3A_220, %add3A_224 : vector<1024x64xf32>
      %max3A_226 = arith.constant 0.000000e+00 : f32
      %max3A_227 = vector.broadcast %max3A_226 : f32 to vector<1024x64xf32>
      %max3A_228 = arith.maximumf %add3A_225, %max3A_227 : vector<1024x64xf32>
      %get3A_229 = arith.constant 0 : index
      %get3A_230 = arith.constant 0 : index
      %get3A_231 = vector.load %arg4[%get3A_229, %get3A_230] : memref<64x64xf32, #tpu.memory_space<vmem>>, vector<64x64xf32>
      %dot_general3A_232 = arith.constant dense<0.000000e+00> : vector<1024x64xf32>
      %dot_general3A_233 = tpu.matmul %max3A_228, %get3A_231, %dot_general3A_232 {dimension_numbers = #tpu.dot_dimension_numbers<[1], [0], [0], [1], [0, 0, 1, 1], [], []>, transpose_lhs_hint = false} : vector<1024x64xf32>, vector<64x64xf32>, vector<1024x64xf32> -> vector<1024x64xf32>
      %get3A_234 = arith.constant 0 : index
      %get3A_235 = arith.constant 0 : index
      %get3A_236 = vector.load %arg5[%get3A_234, %get3A_235] : memref<1x64xf32, #tpu.memory_space<vmem>>, vector<1x64xf32>
      %add3A_237 = vector.broadcast %get3A_236 : vector<1x64xf32> to vector<1024x64xf32>
      %add3A_238 = arith.addf %dot_general3A_233, %add3A_237 : vector<1024x64xf32>
      %max3A_239 = arith.constant 0.000000e+00 : f32
      %max3A_240 = vector.broadcast %max3A_239 : f32 to vector<1024x64xf32>
      %max3A_241 = arith.maximumf %add3A_238, %max3A_240 : vector<1024x64xf32>
      %get3A_242 = arith.constant 0 : index
      %get3A_243 = arith.constant 0 : index
      %get3A_244 = vector.load %arg6[%get3A_242, %get3A_243] : memref<64x1024xf32, #tpu.memory_space<vmem>>, vector<64x1024xf32>
      %dot_general3A_245 = arith.constant dense<0.000000e+00> : vector<1024x1024xf32>
      %dot_general3A_246 = tpu.matmul %max3A_241, %get3A_244, %dot_general3A_245 {dimension_numbers = #tpu.dot_dimension_numbers<[1], [0], [0], [1], [0, 0, 1, 1], [], []>, transpose_lhs_hint = false} : vector<1024x64xf32>, vector<64x1024xf32>, vector<1024x1024xf32> -> vector<1024x1024xf32>
      %get3A_247 = arith.constant 0 : index
      %get3A_248 = arith.constant 0 : index
      %get3A_249 = vector.load %arg7[%get3A_247, %get3A_248] : memref<1x1024xf32, #tpu.memory_space<vmem>>, vector<1x1024xf32>
      %add3A_250 = vector.broadcast %get3A_249 : vector<1x1024xf32> to vector<1024x1024xf32>
      %add3A_251 = arith.addf %dot_general3A_246, %add3A_250 : vector<1024x1024xf32>
      %max3A_252 = arith.constant 0.000000e+00 : f32
      %max3A_253 = vector.broadcast %max3A_252 : f32 to vector<1024x1024xf32>
      %max3A_254 = arith.maximumf %add3A_251, %max3A_253 : vector<1024x1024xf32>
      %swap3A_255 = arith.constant 2048 : index
      %swap3A_256 = arith.constant 0 : index
      %swap3A_257 = vector.load %arg8[%swap3A_255, %swap3A_256] : memref<4096x64xf32, #tpu.memory_space<vmem>>, vector<1024x64xf32>
      tpu.vector_store %arg8[%swap3A_255, %swap3A_256], %max3A_241 {strides = array<i32>} : memref<4096x64xf32, #tpu.memory_space<vmem>>, vector<1024x64xf32>,
      %swap3A_258 = arith.constant 2048 : index
      %swap3A_259 = arith.constant 0 : index
      %swap3A_260 = vector.load %arg12[%swap3A_258, %swap3A_259] : memref<4096x1024xf32, #tpu.memory_space<vmem>>, vector<1024x1024xf32>
      tpu.vector_store %arg12[%swap3A_258, %swap3A_259], %max3A_254 {strides = array<i32>} : memref<4096x1024xf32, #tpu.memory_space<vmem>>, vector<1024x1024xf32>,
      %mul3A_261 = arith.mulf %max3A_254, %max3A_254 : vector<1024x1024xf32>
      %reduce_sum3A_262 = arith.constant dense<0.000000e+00> : vector<1024xf32>
      %reduce_sum3A_263 = vector.multi_reduction <add>, %mul3A_261, %reduce_sum3A_262 [1] : vector<1024x1024xf32> to vector<1024xf32>
      %broadcast_in_dim3A_264 = vector.shape_cast %reduce_sum3A_263 : vector<1024xf32> to vector<1024x1xf32>
      %swap3A_265 = arith.constant 2048 : index
      %swap3A_266 = arith.constant 0 : index
      %swap3A_267 = vector.load %arg13[%swap3A_265, %swap3A_266] : memref<4096x1xf32, #tpu.memory_space<vmem>>, vector<1024x1xf32>
      tpu.vector_store %arg13[%swap3A_265, %swap3A_266], %broadcast_in_dim3A_264 {strides = array<i32>} : memref<4096x1xf32, #tpu.memory_space<vmem>>, vector<1024x1xf32>,
      %dot_general3A_268 = arith.constant dense<0.000000e+00> : vector<1x1024xf32>
      %dot_general3A_269 = tpu.matmul %broadcast_in_dim3A_78, %mul3A_261, %dot_general3A_268 {dimension_numbers = #tpu.dot_dimension_numbers<[1], [1], [0], [0], [0, 0, 1, 0], [], []>, precision = #tpu.contract_precision<fp32>, transpose_lhs_hint = false} : vector<1x1024xf32>, vector<1024x1024xf32>, vector<1x1024xf32> -> vector<1x1024xf32>
      %swap3A_270 = arith.constant 0 : index
      %swap3A_271 = arith.constant 2048 : index
      %swap3A_272 = vector.load %arg14[%swap3A_270, %swap3A_271] : memref<1x4096xf32, #tpu.memory_space<vmem>>, vector<1x1024xf32>
      tpu.vector_store %arg14[%swap3A_270, %swap3A_271], %dot_general3A_269 {strides = array<i32>} : memref<1x4096xf32, #tpu.memory_space<vmem>>, vector<1x1024xf32>,
      %reduce_max3A_273 = arith.constant dense<0xFF800000> : vector<1024xf32>
      %reduce_max3A_274 = vector.multi_reduction <maximumf>, %max3A_254, %reduce_max3A_273 [0] : vector<1024x1024xf32> to vector<1024xf32>
      %broadcast_in_dim3A_275 = vector.shape_cast %reduce_max3A_274 : vector<1024xf32> to vector<1x1024xf32>
      %get3A_276 = arith.constant 0 : index
      %get3A_277 = arith.constant 0 : index
      %get3A_278 = vector.load %arg9[%get3A_276, %get3A_277] : memref<1x1024xf32, #tpu.memory_space<vmem>>, vector<1x1024xf32>
      %max3A_279 = arith.maximumf %get3A_278, %broadcast_in_dim3A_275 : vector<1x1024xf32>
      %swap3A_280 = arith.constant 0 : index
      %swap3A_281 = arith.constant 0 : index
      %swap3A_282 = vector.load %arg9[%swap3A_280, %swap3A_281] : memref<1x1024xf32, #tpu.memory_space<vmem>>, vector<1x1024xf32>
      tpu.vector_store %arg9[%swap3A_280, %swap3A_281], %max3A_279 {strides = array<i32>} : memref<1x1024xf32, #tpu.memory_space<vmem>>, vector<1x1024xf32>,
      %get3A_283 = arith.constant 3072 : index
      %get3A_284 = arith.constant 0 : index
      %get3A_285 = vector.load %arg1[%get3A_283, %get3A_284] : memref<4096x3xf32, #tpu.memory_space<vmem>>, vector<1024x3xf32>
      %get3A_286 = arith.constant 0 : index
      %get3A_287 = arith.constant 0 : index
      %get3A_288 = vector.load %arg2[%get3A_286, %get3A_287] : memref<3x64xf32, #tpu.memory_space<vmem>>, vector<3x64xf32>
      %dot_general3A_289 = arith.constant dense<0.000000e+00> : vector<1024x64xf32>
      %dot_general3A_290 = tpu.matmul %get3A_285, %get3A_288, %dot_general3A_289 {dimension_numbers = #tpu.dot_dimension_numbers<[1], [0], [0], [1], [0, 0, 1, 1], [], []>, transpose_lhs_hint = false} : vector<1024x3xf32>, vector<3x64xf32>, vector<1024x64xf32> -> vector<1024x64xf32>
      %get3A_291 = arith.constant 0 : index
      %get3A_292 = arith.constant 0 : index
      %get3A_293 = vector.load %arg3[%get3A_291, %get3A_292] : memref<1x64xf32, #tpu.memory_space<vmem>>, vector<1x64xf32>
      %add3A_294 = vector.broadcast %get3A_293 : vector<1x64xf32> to vector<1024x64xf32>
      %add3A_295 = arith.addf %dot_general3A_290, %add3A_294 : vector<1024x64xf32>
      %max3A_296 = arith.constant 0.000000e+00 : f32
      %max3A_297 = vector.broadcast %max3A_296 : f32 to vector<1024x64xf32>
      %max3A_298 = arith.maximumf %add3A_295, %max3A_297 : vector<1024x64xf32>
      %get3A_299 = arith.constant 0 : index
      %get3A_300 = arith.constant 0 : index
      %get3A_301 = vector.load %arg4[%get3A_299, %get3A_300] : memref<64x64xf32, #tpu.memory_space<vmem>>, vector<64x64xf32>
      %dot_general3A_302 = arith.constant dense<0.000000e+00> : vector<1024x64xf32>
      %dot_general3A_303 = tpu.matmul %max3A_298, %get3A_301, %dot_general3A_302 {dimension_numbers = #tpu.dot_dimension_numbers<[1], [0], [0], [1], [0, 0, 1, 1], [], []>, transpose_lhs_hint = false} : vector<1024x64xf32>, vector<64x64xf32>, vector<1024x64xf32> -> vector<1024x64xf32>
      %get3A_304 = arith.constant 0 : index
      %get3A_305 = arith.constant 0 : index
      %get3A_306 = vector.load %arg5[%get3A_304, %get3A_305] : memref<1x64xf32, #tpu.memory_space<vmem>>, vector<1x64xf32>
      %add3A_307 = vector.broadcast %get3A_306 : vector<1x64xf32> to vector<1024x64xf32>
      %add3A_308 = arith.addf %dot_general3A_303, %add3A_307 : vector<1024x64xf32>
      %max3A_309 = arith.constant 0.000000e+00 : f32
      %max3A_310 = vector.broadcast %max3A_309 : f32 to vector<1024x64xf32>
      %max3A_311 = arith.maximumf %add3A_308, %max3A_310 : vector<1024x64xf32>
      %get3A_312 = arith.constant 0 : index
      %get3A_313 = arith.constant 0 : index
      %get3A_314 = vector.load %arg6[%get3A_312, %get3A_313] : memref<64x1024xf32, #tpu.memory_space<vmem>>, vector<64x1024xf32>
      %dot_general3A_315 = arith.constant dense<0.000000e+00> : vector<1024x1024xf32>
      %dot_general3A_316 = tpu.matmul %max3A_311, %get3A_314, %dot_general3A_315 {dimension_numbers = #tpu.dot_dimension_numbers<[1], [0], [0], [1], [0, 0, 1, 1], [], []>, transpose_lhs_hint = false} : vector<1024x64xf32>, vector<64x1024xf32>, vector<1024x1024xf32> -> vector<1024x1024xf32>
      %get3A_317 = arith.constant 0 : index
      %get3A_318 = arith.constant 0 : index
      %get3A_319 = vector.load %arg7[%get3A_317, %get3A_318] : memref<1x1024xf32, #tpu.memory_space<vmem>>, vector<1x1024xf32>
      %add3A_320 = vector.broadcast %get3A_319 : vector<1x1024xf32> to vector<1024x1024xf32>
      %add3A_321 = arith.addf %dot_general3A_316, %add3A_320 : vector<1024x1024xf32>
      %max3A_322 = arith.constant 0.000000e+00 : f32
      %max3A_323 = vector.broadcast %max3A_322 : f32 to vector<1024x1024xf32>
      %max3A_324 = arith.maximumf %add3A_321, %max3A_323 : vector<1024x1024xf32>
      %swap3A_325 = arith.constant 3072 : index
      %swap3A_326 = arith.constant 0 : index
      %swap3A_327 = vector.load %arg8[%swap3A_325, %swap3A_326] : memref<4096x64xf32, #tpu.memory_space<vmem>>, vector<1024x64xf32>
      tpu.vector_store %arg8[%swap3A_325, %swap3A_326], %max3A_311 {strides = array<i32>} : memref<4096x64xf32, #tpu.memory_space<vmem>>, vector<1024x64xf32>,
      %swap3A_328 = arith.constant 3072 : index
      %swap3A_329 = arith.constant 0 : index
      %swap3A_330 = vector.load %arg12[%swap3A_328, %swap3A_329] : memref<4096x1024xf32, #tpu.memory_space<vmem>>, vector<1024x1024xf32>
      tpu.vector_store %arg12[%swap3A_328, %swap3A_329], %max3A_324 {strides = array<i32>} : memref<4096x1024xf32, #tpu.memory_space<vmem>>, vector<1024x1024xf32>,
      %mul3A_331 = arith.mulf %max3A_324, %max3A_324 : vector<1024x1024xf32>
      %reduce_sum3A_332 = arith.constant dense<0.000000e+00> : vector<1024xf32>
      %reduce_sum3A_333 = vector.multi_reduction <add>, %mul3A_331, %reduce_sum3A_332 [1] : vector<1024x1024xf32> to vector<1024xf32>
      %broadcast_in_dim3A_334 = vector.shape_cast %reduce_sum3A_333 : vector<1024xf32> to vector<1024x1xf32>
      %swap3A_335 = arith.constant 3072 : index
      %swap3A_336 = arith.constant 0 : index
      %swap3A_337 = vector.load %arg13[%swap3A_335, %swap3A_336] : memref<4096x1xf32, #tpu.memory_space<vmem>>, vector<1024x1xf32>
      tpu.vector_store %arg13[%swap3A_335, %swap3A_336], %broadcast_in_dim3A_334 {strides = array<i32>} : memref<4096x1xf32, #tpu.memory_space<vmem>>, vector<1024x1xf32>,
      %dot_general3A_338 = arith.constant dense<0.000000e+00> : vector<1x1024xf32>
      %dot_general3A_339 = tpu.matmul %broadcast_in_dim3A_78, %mul3A_331, %dot_general3A_338 {dimension_numbers = #tpu.dot_dimension_numbers<[1], [1], [0], [0], [0, 0, 1, 0], [], []>, precision = #tpu.contract_precision<fp32>, transpose_lhs_hint = false} : vector<1x1024xf32>, vector<1024x1024xf32>, vector<1x1024xf32> -> vector<1x1024xf32>
      %swap3A_340 = arith.constant 0 : index
      %swap3A_341 = arith.constant 3072 : index
      %swap3A_342 = vector.load %arg14[%swap3A_340, %swap3A_341] : memref<1x4096xf32, #tpu.memory_space<vmem>>, vector<1x1024xf32>
      tpu.vector_store %arg14[%swap3A_340, %swap3A_341], %dot_general3A_339 {strides = array<i32>} : memref<1x4096xf32, #tpu.memory_space<vmem>>, vector<1x1024xf32>,
      %reduce_max3A_343 = arith.constant dense<0xFF800000> : vector<1024xf32>
      %reduce_max3A_344 = vector.multi_reduction <maximumf>, %max3A_324, %reduce_max3A_343 [0] : vector<1024x1024xf32> to vector<1024xf32>
      %broadcast_in_dim3A_345 = vector.shape_cast %reduce_max3A_344 : vector<1024xf32> to vector<1x1024xf32>
      %get3A_346 = arith.constant 0 : index
      %get3A_347 = arith.constant 0 : index
      %get3A_348 = vector.load %arg9[%get3A_346, %get3A_347] : memref<1x1024xf32, #tpu.memory_space<vmem>>, vector<1x1024xf32>
      %max3A_349 = arith.maximumf %get3A_348, %broadcast_in_dim3A_345 : vector<1x1024xf32>
      %swap3A_350 = arith.constant 0 : index
      %swap3A_351 = arith.constant 0 : index
      %swap3A_352 = vector.load %arg9[%swap3A_350, %swap3A_351] : memref<1x1024xf32, #tpu.memory_space<vmem>>, vector<1x1024xf32>
      tpu.vector_store %arg9[%swap3A_350, %swap3A_351], %max3A_349 {strides = array<i32>} : memref<1x1024xf32, #tpu.memory_space<vmem>>, vector<1x1024xf32>,
    } else {
    }
    %mul3A = arith.constant 512 : i32
    %mul3A_2 = arith.muli %arg0, %mul3A : i32
    %get3A = arith.index_cast %mul3A_2 : i32 to index
    %get3A_3 = arith.constant 0 : index
    %get3A_4 = vector.load %arg12[%get3A, %get3A_3] : memref<4096x1024xf32, #tpu.memory_space<vmem>>, vector<512x1024xf32>
    %mul3A_5 = arith.constant -2.000000e+00 : f32
    %mul3A_6 = vector.broadcast %mul3A_5 : f32 to vector<512x1024xf32>
    %mul3A_7 = arith.mulf %get3A_4, %mul3A_6 : vector<512x1024xf32>
    %get3A_8 = arith.constant 0 : index
    %get3A_9 = arith.constant 0 : index
    %get3A_10 = vector.load %arg12[%get3A_8, %get3A_9] : memref<4096x1024xf32, #tpu.memory_space<vmem>>, vector<4096x1024xf32>
    %dot_general3A = arith.constant dense<0.000000e+00> : vector<512x4096xf32>
    %dot_general3A_11 = tpu.matmul %mul3A_7, %get3A_10, %dot_general3A {dimension_numbers = #tpu.dot_dimension_numbers<[1], [1], [0], [0], [0, 0, 1, 0], [], []>, transpose_lhs_hint = false} : vector<512x1024xf32>, vector<4096x1024xf32>, vector<512x4096xf32> -> vector<512x4096xf32>
    %get3A_12 = arith.index_cast %mul3A_2 : i32 to index
    %get3A_13 = arith.constant 0 : index
    %get3A_14 = vector.load %arg13[%get3A_12, %get3A_13] : memref<4096x1xf32, #tpu.memory_space<vmem>>, vector<512x1xf32>
    %add3A = vector.broadcast %get3A_14 : vector<512x1xf32> to vector<512x4096xf32>
    %add3A_15 = arith.addf %add3A, %dot_general3A_11 : vector<512x4096xf32>
    %get3A_16 = arith.constant 0 : index
    %get3A_17 = arith.constant 0 : index
    %get3A_18 = vector.load %arg14[%get3A_16, %get3A_17] : memref<1x4096xf32, #tpu.memory_space<vmem>>, vector<1x4096xf32>
    %add3A_19 = vector.broadcast %get3A_18 : vector<1x4096xf32> to vector<512x4096xf32>
    %add3A_20 = arith.addf %add3A_15, %add3A_19 : vector<512x4096xf32>
    %iota3A = tpu.iota {dimensions = array<i32: 1>} : vector<512x4096xi32>
    %reduce_max3A = arith.constant dense<0xFF800000> : vector<512xf32>
    %reduce_max3A_21 = vector.multi_reduction <maximumf>, %add3A_20, %reduce_max3A [1] : vector<512x4096xf32> to vector<512xf32>
    %broadcast_in_dim3A = vector.shape_cast %reduce_max3A_21 : vector<512xf32> to vector<512x1xf32>
    %eq3A_22 = vector.broadcast %broadcast_in_dim3A : vector<512x1xf32> to vector<512x4096xf32>
    %eq3A_23 = arith.cmpf oeq, %add3A_20, %eq3A_22 : vector<512x4096xf32>
    %jit3A = arith.constant -1.000000e+30 : f32
    %broadcast_in_dim3A_24 = vector.broadcast %jit3A : f32 to vector<512x4096xf32>
    %select_n3A = arith.select %eq3A_23, %broadcast_in_dim3A_24, %add3A_20 : vector<512x4096xi1>, vector<512x4096xf32>
    %reduce_max3A_25 = arith.constant dense<0xFF800000> : vector<512xf32>
    %reduce_max3A_26 = vector.multi_reduction <maximumf>, %select_n3A, %reduce_max3A_25 [1] : vector<512x4096xf32> to vector<512xf32>
    %broadcast_in_dim3A_27 = vector.shape_cast %reduce_max3A_26 : vector<512xf32> to vector<512x1xf32>
    %eq3A_28 = vector.broadcast %broadcast_in_dim3A_27 : vector<512x1xf32> to vector<512x4096xf32>
    %eq3A_29 = arith.cmpf oeq, %select_n3A, %eq3A_28 : vector<512x4096xf32>
    %jit3A_30 = arith.constant 4096 : i32
    %broadcast_in_dim3A_31 = vector.broadcast %jit3A_30 : i32 to vector<512x4096xi32>
    %select_n3A_32 = arith.select %eq3A_29, %iota3A, %broadcast_in_dim3A_31 : vector<512x4096xi1>, vector<512x4096xi32>
    %reduce_min3A = arith.constant dense<2147483647> : vector<512xi32>
    %reduce_min3A_33 = vector.multi_reduction <minsi>, %select_n3A_32, %reduce_min3A [1] : vector<512x4096xi32> to vector<512xi32>
    %broadcast_in_dim3A_34 = vector.shape_cast %reduce_min3A_33 : vector<512xi32> to vector<512x1xi32>
    %neg3A = arith.constant 0.000000e+00 : f32
    %neg3A_35 = vector.broadcast %neg3A : f32 to vector<512x1xf32>
    %neg3A_36 = arith.subf %neg3A_35, %broadcast_in_dim3A_27 : vector<512x1xf32>
    %jit3A_37 = arith.constant -1.000000e+30 : f32
    %broadcast_in_dim3A_38 = vector.broadcast %jit3A_37 : f32 to vector<512x4096xf32>
    %select_n3A_39 = arith.select %eq3A_29, %broadcast_in_dim3A_38, %select_n3A : vector<512x4096xi1>, vector<512x4096xf32>
    %reduce_max3A_40 = arith.constant dense<0xFF800000> : vector<512xf32>
    %reduce_max3A_41 = vector.multi_reduction <maximumf>, %select_n3A_39, %reduce_max3A_40 [1] : vector<512x4096xf32> to vector<512xf32>
    %broadcast_in_dim3A_42 = vector.shape_cast %reduce_max3A_41 : vector<512xf32> to vector<512x1xf32>
    %eq3A_43 = vector.broadcast %broadcast_in_dim3A_42 : vector<512x1xf32> to vector<512x4096xf32>
    %eq3A_44 = arith.cmpf oeq, %select_n3A_39, %eq3A_43 : vector<512x4096xf32>
    %jit3A_45 = arith.constant 4096 : i32
    %broadcast_in_dim3A_46 = vector.broadcast %jit3A_45 : i32 to vector<512x4096xi32>
    %select_n3A_47 = arith.select %eq3A_44, %iota3A, %broadcast_in_dim3A_46 : vector<512x4096xi1>, vector<512x4096xi32>
    %reduce_min3A_48 = arith.constant dense<2147483647> : vector<512xi32>
    %reduce_min3A_49 = vector.multi_reduction <minsi>, %select_n3A_47, %reduce_min3A_48 [1] : vector<512x4096xi32> to vector<512xi32>
    %broadcast_in_dim3A_50 = vector.shape_cast %reduce_min3A_49 : vector<512xi32> to vector<512x1xi32>
    %neg3A_51 = arith.constant 0.000000e+00 : f32
    %neg3A_52 = vector.broadcast %neg3A_51 : f32 to vector<512x1xf32>
    %neg3A_53 = arith.subf %neg3A_52, %broadcast_in_dim3A_42 : vector<512x1xf32>
    %jit3A_54 = arith.constant -1.000000e+30 : f32
    %broadcast_in_dim3A_55 = vector.broadcast %jit3A_54 : f32 to vector<512x4096xf32>
    %select_n3A_56 = arith.select %eq3A_44, %broadcast_in_dim3A_55, %select_n3A_39 : vector<512x4096xi1>, vector<512x4096xf32>
    %reduce_max3A_57 = arith.constant dense<0xFF800000> : vector<512xf32>
    %reduce_max3A_58 = vector.multi_reduction <maximumf>, %select_n3A_56, %reduce_max3A_57 [1] : vector<512x4096xf32> to vector<512xf32>
    %broadcast_in_dim3A_59 = vector.shape_cast %reduce_max3A_58 : vector<512xf32> to vector<512x1xf32>
    %eq3A_60 = vector.broadcast %broadcast_in_dim3A_59 : vector<512x1xf32> to vector<512x4096xf32>
    %eq3A_61 = arith.cmpf oeq, %select_n3A_56, %eq3A_60 : vector<512x4096xf32>
    %jit3A_62 = arith.constant 4096 : i32
    %broadcast_in_dim3A_63 = vector.broadcast %jit3A_62 : i32 to vector<512x4096xi32>
    %select_n3A_64 = arith.select %eq3A_61, %iota3A, %broadcast_in_dim3A_63 : vector<512x4096xi1>, vector<512x4096xi32>
    %reduce_min3A_65 = arith.constant dense<2147483647> : vector<512xi32>
    %reduce_min3A_66 = vector.multi_reduction <minsi>, %select_n3A_64, %reduce_min3A_65 [1] : vector<512x4096xi32> to vector<512xi32>
    %broadcast_in_dim3A_67 = vector.shape_cast %reduce_min3A_66 : vector<512xi32> to vector<512x1xi32>
    %neg3A_68 = arith.constant 0.000000e+00 : f32
    %neg3A_69 = vector.broadcast %neg3A_68 : f32 to vector<512x1xf32>
    %neg3A_70 = arith.subf %neg3A_69, %broadcast_in_dim3A_59 : vector<512x1xf32>
    %concatenate3A = tpu.concatenate %broadcast_in_dim3A_34, %broadcast_in_dim3A_50, %broadcast_in_dim3A_67 in 1 : vector<512x1xi32>, vector<512x1xi32>, vector<512x1xi32> -> vector<512x3xi32>
    %swap3A = arith.constant 0 : index
    %swap3A_71 = arith.constant 0 : index
    %swap3A_72 = vector.load %arg10[%swap3A, %swap3A_71] : memref<512x3xi32, #tpu.memory_space<vmem>>, vector<512x3xi32>
    tpu.vector_store %arg10[%swap3A, %swap3A_71], %concatenate3A {strides = array<i32>} : memref<512x3xi32, #tpu.memory_space<vmem>>, vector<512x3xi32>,
    %concatenate3A_73 = tpu.concatenate %neg3A_36, %neg3A_53, %neg3A_70 in 1 : vector<512x1xf32>, vector<512x1xf32>, vector<512x1xf32> -> vector<512x3xf32>
    %swap3A_74 = arith.constant 0 : index
    %swap3A_75 = arith.constant 0 : index
    %swap3A_76 = vector.load %arg11[%swap3A_74, %swap3A_75] : memref<512x3xf32, #tpu.memory_space<vmem>>, vector<512x3xf32>
    tpu.vector_store %arg11[%swap3A_74, %swap3A_75], %concatenate3A_73 {strides = array<i32>} : memref<512x3xf32, #tpu.memory_space<vmem>>, vector<512x3xf32>,
    return
  }
  func.func @transform_0(%arg0: i32) -> (i32, i32) {
    %c0_i32 = arith.constant 0 : i32
    %c0_i32_0 = arith.constant 0 : i32
    %c0_i32_1 = arith.constant 0 : i32
    return %c0_i32, %c0_i32_0 : i32, i32
  }
  func.func @transform_1(%arg0: i32) -> (i32, i32) {
    %c0_i32 = arith.constant 0 : i32
    %c0_i32_0 = arith.constant 0 : i32
    %c0_i32_1 = arith.constant 0 : i32
    return %c0_i32, %c0_i32_0 : i32, i32
  }
  func.func @transform_2(%arg0: i32) -> (i32, i32) {
    %c0_i32 = arith.constant 0 : i32
    %c0_i32_0 = arith.constant 0 : i32
    %c0_i32_1 = arith.constant 0 : i32
    return %c0_i32, %c0_i32_0 : i32, i32
  }
  func.func @transform_3(%arg0: i32) -> (i32, i32) {
    %c0_i32 = arith.constant 0 : i32
    %c0_i32_0 = arith.constant 0 : i32
    %c0_i32_1 = arith.constant 0 : i32
    return %c0_i32, %c0_i32_0 : i32, i32
  }
  func.func @transform_4(%arg0: i32) -> (i32, i32) {
    %c0_i32 = arith.constant 0 : i32
    %c0_i32_0 = arith.constant 0 : i32
    %c0_i32_1 = arith.constant 0 : i32
    return %c0_i32, %c0_i32_0 : i32, i32
  }
  func.func @transform_5(%arg0: i32) -> (i32, i32) {
    %c0_i32 = arith.constant 0 : i32
    %c0_i32_0 = arith.constant 0 : i32
    %c0_i32_1 = arith.constant 0 : i32
    return %c0_i32, %c0_i32_0 : i32, i32
  }
  func.func @transform_6(%arg0: i32) -> (i32, i32) {
    %c0_i32 = arith.constant 0 : i32
    %c0_i32_0 = arith.constant 0 : i32
    %c0_i32_1 = arith.constant 0 : i32
    return %c0_i32, %c0_i32_0 : i32, i32
  }
  func.func @transform_7(%arg0: i32) -> (i32, i32) {
    %c0_i32 = arith.constant 0 : i32
    %c0_i32_0 = arith.constant 0 : i32
    %c0_i32_1 = arith.constant 0 : i32
    return %c0_i32, %c0_i32_0 : i32, i32
  }
  func.func @transform_8(%arg0: i32) -> (i32, i32) {
    %c0_i32 = arith.constant 0 : i32
    %c0_i32_0 = arith.constant 0 : i32
    %c0_i32_1 = arith.constant 0 : i32
    return %c0_i32, %c0_i32_0 : i32, i32
  }
  func.func @transform_9(%arg0: i32) -> (i32, i32) {
    %c0_i32 = arith.constant 0 : i32
    %c0_i32_0 = arith.constant 0 : i32
    return %arg0, %c0_i32 : i32, i32
  }
  func.func @transform_10(%arg0: i32) -> (i32, i32) {
    %c0_i32 = arith.constant 0 : i32
    %c0_i32_0 = arith.constant 0 : i32
    return %arg0, %c0_i32 : i32, i32
  }
}

module attributes {stable_mosaic.version = 14 : i64} {
  func.func @_stage_b2(%arg0: i32, %arg1: memref<512x64xf32, #tpu.memory_space<vmem>>, %arg2: memref<512x48xf32, #tpu.memory_space<vmem>>, %arg3: memref<512x3xf32, #tpu.memory_space<vmem>>, %arg4: memref<512x3xf32, #tpu.memory_space<vmem>>, %arg5: memref<1x1024xf32, #tpu.memory_space<vmem>>, %arg6: memref<1024x512xf32, #tpu.memory_space<vmem>>, %arg7: memref<1x512xf32, #tpu.memory_space<vmem>>, %arg8: memref<64x512xf32, #tpu.memory_space<vmem>>, %arg9: memref<12x512xf32, #tpu.memory_space<vmem>>, %arg10: memref<512x256xf32, #tpu.memory_space<vmem>>, %arg11: memref<1x256xf32, #tpu.memory_space<vmem>>, %arg12: memref<256x6xf32, #tpu.memory_space<vmem>>, %arg13: memref<1x6xf32, #tpu.memory_space<vmem>>, %arg14: memref<512x6xf32, #tpu.memory_space<vmem>>, %arg15: memref<1x512xf32, #tpu.memory_space<vmem>>) attributes {dimension_semantics = [#tpu.dimension_semantics<arbitrary>], iteration_bounds = array<i64: 8>, scalar_prefetch = 0 : i64, scratch_operands = 1 : i64, tpu.core_type = #tpu.core_type<tc>, window_params = [{transform_indices = @transform_0, window_bounds = array<i64: 512, 64>}, {transform_indices = @transform_1, window_bounds = array<i64: 512, 48>}, {transform_indices = @transform_2, window_bounds = array<i64: 512, 3>}, {transform_indices = @transform_3, window_bounds = array<i64: 512, 3>}, {pipeline_mode = #tpu.pipeline_mode<synchronous>, transform_indices = @transform_4, window_bounds = array<i64: 1, 1024>}, {pipeline_mode = #tpu.pipeline_mode<synchronous>, transform_indices = @transform_5, window_bounds = array<i64: 1024, 512>}, {pipeline_mode = #tpu.pipeline_mode<synchronous>, transform_indices = @transform_6, window_bounds = array<i64: 1, 512>}, {pipeline_mode = #tpu.pipeline_mode<synchronous>, transform_indices = @transform_7, window_bounds = array<i64: 64, 512>}, {pipeline_mode = #tpu.pipeline_mode<synchronous>, transform_indices = @transform_8, window_bounds = array<i64: 12, 512>}, {pipeline_mode = #tpu.pipeline_mode<synchronous>, transform_indices = @transform_9, window_bounds = array<i64: 512, 256>}, {pipeline_mode = #tpu.pipeline_mode<synchronous>, transform_indices = @transform_10, window_bounds = array<i64: 1, 256>}, {pipeline_mode = #tpu.pipeline_mode<synchronous>, transform_indices = @transform_11, window_bounds = array<i64: 256, 6>}, {pipeline_mode = #tpu.pipeline_mode<synchronous>, transform_indices = @transform_12, window_bounds = array<i64: 1, 6>}, {transform_indices = @transform_13, window_bounds = array<i64: 512, 6>}]} {
    %eq3A = arith.constant 0 : i32
    %eq3A_0 = arith.cmpi eq, %arg0, %eq3A : i32
    %convert_element_type3A = arith.extui %eq3A_0 : i1 to i32
    %cond3A = arith.constant 0 : i32
    %cond3A_1 = arith.cmpi ne, %convert_element_type3A, %cond3A : i32
    scf.if %cond3A_1 {
      %get3A_77 = arith.constant 0 : index
      %get3A_78 = arith.constant 0 : index
      %get3A_79 = vector.load %arg5[%get3A_77, %get3A_78] : memref<1x1024xf32, #tpu.memory_space<vmem>>, vector<1x1024xf32>
      %get3A_80 = arith.constant 0 : index
      %get3A_81 = arith.constant 0 : index
      %get3A_82 = vector.load %arg6[%get3A_80, %get3A_81] : memref<1024x512xf32, #tpu.memory_space<vmem>>, vector<1024x512xf32>
      %dot_general3A_83 = arith.constant dense<0.000000e+00> : vector<1x512xf32>
      %dot_general3A_84 = tpu.matmul %get3A_79, %get3A_82, %dot_general3A_83 {dimension_numbers = #tpu.dot_dimension_numbers<[1], [0], [0], [1], [0, 0, 1, 1], [], []>, precision = #tpu.contract_precision<fp32>, transpose_lhs_hint = false} : vector<1x1024xf32>, vector<1024x512xf32>, vector<1x512xf32> -> vector<1x512xf32>
      %get3A_85 = arith.constant 0 : index
      %get3A_86 = arith.constant 0 : index
      %get3A_87 = vector.load %arg7[%get3A_85, %get3A_86] : memref<1x512xf32, #tpu.memory_space<vmem>>, vector<1x512xf32>
      %add3A_88 = arith.addf %dot_general3A_84, %get3A_87 : vector<1x512xf32>
      %swap3A_89 = arith.constant 0 : index
      %swap3A_90 = arith.constant 0 : index
      %swap3A_91 = vector.load %arg15[%swap3A_89, %swap3A_90] : memref<1x512xf32, #tpu.memory_space<vmem>>, vector<1x512xf32>
      tpu.vector_store %arg15[%swap3A_89, %swap3A_90], %add3A_88 {strides = array<i32>} : memref<1x512xf32, #tpu.memory_space<vmem>>, vector<1x512xf32>,
    } else {
    }
    %get3A = arith.constant 0 : index
    %get3A_2 = arith.constant 0 : index
    %get3A_3 = vector.load %arg4[%get3A, %get3A_2] : memref<512x3xf32, #tpu.memory_space<vmem>>, vector<512x3xf32>
    %get3A_4 = arith.constant 0 : index
    %get3A_5 = arith.constant 0 : index
    %get3A_6 = vector.load %arg2[%get3A_4, %get3A_5] : memref<512x48xf32, #tpu.memory_space<vmem>>, vector<512x3xf32>
    %sub3A = arith.subf %get3A_6, %get3A_3 : vector<512x3xf32>
    %get3A_7 = arith.constant 0 : index
    %get3A_8 = arith.constant 0 : index
    %get3A_9 = vector.load %arg3[%get3A_7, %get3A_8] : memref<512x3xf32, #tpu.memory_space<vmem>>, vector<512x1xf32>
    %get3A_10 = arith.constant 0 : index
    %get3A_11 = arith.constant 16 : index
    %get3A_12 = vector.load %arg2[%get3A_10, %get3A_11] : memref<512x48xf32, #tpu.memory_space<vmem>>, vector<512x3xf32>
    %sub3A_13 = arith.subf %get3A_12, %get3A_3 : vector<512x3xf32>
    %get3A_14 = arith.constant 0 : index
    %get3A_15 = arith.constant 1 : index
    %get3A_16 = vector.load %arg3[%get3A_14, %get3A_15] : memref<512x3xf32, #tpu.memory_space<vmem>>, vector<512x1xf32>
    %get3A_17 = arith.constant 0 : index
    %get3A_18 = arith.constant 32 : index
    %get3A_19 = vector.load %arg2[%get3A_17, %get3A_18] : memref<512x48xf32, #tpu.memory_space<vmem>>, vector<512x3xf32>
    %sub3A_20 = arith.subf %get3A_19, %get3A_3 : vector<512x3xf32>
    %get3A_21 = arith.constant 0 : index
    %get3A_22 = arith.constant 2 : index
    %get3A_23 = vector.load %arg3[%get3A_21, %get3A_22] : memref<512x3xf32, #tpu.memory_space<vmem>>, vector<512x1xf32>
    %concatenate3A = tpu.concatenate %sub3A, %get3A_9, %sub3A_13, %get3A_16, %sub3A_20, %get3A_23 in 1 : vector<512x3xf32>, vector<512x1xf32>, vector<512x3xf32>, vector<512x1xf32>, vector<512x3xf32>, vector<512x1xf32> -> vector<512x12xf32>
    %get3A_24 = arith.constant 0 : index
    %get3A_25 = arith.constant 0 : index
    %get3A_26 = vector.load %arg1[%get3A_24, %get3A_25] : memref<512x64xf32, #tpu.memory_space<vmem>>, vector<512x64xf32>
    %get3A_27 = arith.constant 0 : index
    %get3A_28 = arith.constant 0 : index
    %get3A_29 = vector.load %arg8[%get3A_27, %get3A_28] : memref<64x512xf32, #tpu.memory_space<vmem>>, vector<64x512xf32>
    %dot_general3A = arith.constant dense<0.000000e+00> : vector<512x512xf32>
    %dot_general3A_30 = tpu.matmul %get3A_26, %get3A_29, %dot_general3A {dimension_numbers = #tpu.dot_dimension_numbers<[1], [0], [0], [1], [0, 0, 1, 1], [], []>, transpose_lhs_hint = false} : vector<512x64xf32>, vector<64x512xf32>, vector<512x512xf32> -> vector<512x512xf32>
    %get3A_31 = arith.constant 0 : index
    %get3A_32 = arith.constant 0 : index
    %get3A_33 = vector.load %arg9[%get3A_31, %get3A_32] : memref<12x512xf32, #tpu.memory_space<vmem>>, vector<12x512xf32>
    %dot_general3A_34 = arith.constant dense<0.000000e+00> : vector<512x512xf32>
    %dot_general3A_35 = tpu.matmul %concatenate3A, %get3A_33, %dot_general3A_34 {dimension_numbers = #tpu.dot_dimension_numbers<[1], [0], [0], [1], [0, 0, 1, 1], [], []>, precision = #tpu.contract_precision<fp32>, transpose_lhs_hint = false} : vector<512x12xf32>, vector<12x512xf32>, vector<512x512xf32> -> vector<512x512xf32>
    %add3A = arith.addf %dot_general3A_30, %dot_general3A_35 : vector<512x512xf32>
    %get3A_36 = arith.constant 0 : index
    %get3A_37 = arith.constant 0 : index
    %get3A_38 = vector.load %arg15[%get3A_36, %get3A_37] : memref<1x512xf32, #tpu.memory_space<vmem>>, vector<1x512xf32>
    %add3A_39 = vector.broadcast %get3A_38 : vector<1x512xf32> to vector<512x512xf32>
    %add3A_40 = arith.addf %add3A, %add3A_39 : vector<512x512xf32>
    %max3A = arith.constant 0.000000e+00 : f32
    %max3A_41 = vector.broadcast %max3A : f32 to vector<512x512xf32>
    %max3A_42 = arith.maximumf %add3A_40, %max3A_41 : vector<512x512xf32>
    %get3A_43 = arith.constant 0 : index
    %get3A_44 = arith.constant 0 : index
    %get3A_45 = vector.load %arg10[%get3A_43, %get3A_44] : memref<512x256xf32, #tpu.memory_space<vmem>>, vector<512x256xf32>
    %dot_general3A_46 = arith.constant dense<0.000000e+00> : vector<512x256xf32>
    %dot_general3A_47 = tpu.matmul %max3A_42, %get3A_45, %dot_general3A_46 {dimension_numbers = #tpu.dot_dimension_numbers<[1], [0], [0], [1], [0, 0, 1, 1], [], []>, transpose_lhs_hint = false} : vector<512x512xf32>, vector<512x256xf32>, vector<512x256xf32> -> vector<512x256xf32>
    %get3A_48 = arith.constant 0 : index
    %get3A_49 = arith.constant 0 : index
    %get3A_50 = vector.load %arg11[%get3A_48, %get3A_49] : memref<1x256xf32, #tpu.memory_space<vmem>>, vector<1x256xf32>
    %add3A_51 = vector.broadcast %get3A_50 : vector<1x256xf32> to vector<512x256xf32>
    %add3A_52 = arith.addf %dot_general3A_47, %add3A_51 : vector<512x256xf32>
    %max3A_53 = arith.constant 0.000000e+00 : f32
    %max3A_54 = vector.broadcast %max3A_53 : f32 to vector<512x256xf32>
    %max3A_55 = arith.maximumf %add3A_52, %max3A_54 : vector<512x256xf32>
    %get3A_56 = arith.constant 0 : index
    %get3A_57 = arith.constant 0 : index
    %get3A_58 = vector.load %arg12[%get3A_56, %get3A_57] : memref<256x6xf32, #tpu.memory_space<vmem>>, vector<256x6xf32>
    %dot_general3A_59 = arith.constant dense<0.000000e+00> : vector<512x6xf32>
    %dot_general3A_60 = tpu.matmul %max3A_55, %get3A_58, %dot_general3A_59 {dimension_numbers = #tpu.dot_dimension_numbers<[1], [0], [0], [1], [0, 0, 1, 1], [], []>, transpose_lhs_hint = false} : vector<512x256xf32>, vector<256x6xf32>, vector<512x6xf32> -> vector<512x6xf32>
    %get3A_61 = arith.constant 0 : index
    %get3A_62 = arith.constant 0 : index
    %get3A_63 = vector.load %arg13[%get3A_61, %get3A_62] : memref<1x6xf32, #tpu.memory_space<vmem>>, vector<1x6xf32>
    %add3A_64 = vector.broadcast %get3A_63 : vector<1x6xf32> to vector<512x6xf32>
    %add3A_65 = arith.addf %dot_general3A_60, %add3A_64 : vector<512x6xf32>
    %reduce_max3A = arith.constant dense<0xFF800000> : vector<512xf32>
    %reduce_max3A_66 = vector.multi_reduction <maximumf>, %add3A_65, %reduce_max3A [1] : vector<512x6xf32> to vector<512xf32>
    %max3A_67 = arith.constant 0xFF800000 : f32
    %max3A_68 = vector.broadcast %max3A_67 : f32 to vector<512xf32>
    %max3A_69 = arith.maximumf %max3A_68, %reduce_max3A_66 : vector<512xf32>
    %broadcast_in_dim3A = vector.shape_cast %max3A_69 : vector<512xf32> to vector<512x1xf32>
    %sub3A_70 = vector.broadcast %broadcast_in_dim3A : vector<512x1xf32> to vector<512x6xf32>
    %sub3A_71 = arith.subf %add3A_65, %sub3A_70 : vector<512x6xf32>
    %exp3A = math.exp %sub3A_71 : vector<512x6xf32>
    %reduce_sum3A = arith.constant dense<0.000000e+00> : vector<512xf32>
    %reduce_sum3A_72 = vector.multi_reduction <add>, %exp3A, %reduce_sum3A [1] : vector<512x6xf32> to vector<512xf32>
    %broadcast_in_dim3A_73 = vector.shape_cast %reduce_sum3A_72 : vector<512xf32> to vector<512x1xf32>
    %div3A = vector.broadcast %broadcast_in_dim3A_73 : vector<512x1xf32> to vector<512x6xf32>
    %div3A_74 = arith.divf %exp3A, %div3A : vector<512x6xf32>
    %swap3A = arith.constant 0 : index
    %swap3A_75 = arith.constant 0 : index
    %swap3A_76 = vector.load %arg14[%swap3A, %swap3A_75] : memref<512x6xf32, #tpu.memory_space<vmem>>, vector<512x6xf32>
    tpu.vector_store %arg14[%swap3A, %swap3A_75], %div3A_74 {strides = array<i32>} : memref<512x6xf32, #tpu.memory_space<vmem>>, vector<512x6xf32>,
    return
  }
  func.func @transform_0(%arg0: i32) -> (i32, i32) {
    %c0_i32 = arith.constant 0 : i32
    %c0_i32_0 = arith.constant 0 : i32
    return %arg0, %c0_i32 : i32, i32
  }
  func.func @transform_1(%arg0: i32) -> (i32, i32) {
    %c0_i32 = arith.constant 0 : i32
    %c0_i32_0 = arith.constant 0 : i32
    return %arg0, %c0_i32 : i32, i32
  }
  func.func @transform_2(%arg0: i32) -> (i32, i32) {
    %c0_i32 = arith.constant 0 : i32
    %c0_i32_0 = arith.constant 0 : i32
    return %arg0, %c0_i32 : i32, i32
  }
  func.func @transform_3(%arg0: i32) -> (i32, i32) {
    %c0_i32 = arith.constant 0 : i32
    %c0_i32_0 = arith.constant 0 : i32
    return %arg0, %c0_i32 : i32, i32
  }
  func.func @transform_4(%arg0: i32) -> (i32, i32) {
    %c0_i32 = arith.constant 0 : i32
    %c0_i32_0 = arith.constant 0 : i32
    %c0_i32_1 = arith.constant 0 : i32
    return %c0_i32, %c0_i32_0 : i32, i32
  }
  func.func @transform_5(%arg0: i32) -> (i32, i32) {
    %c0_i32 = arith.constant 0 : i32
    %c0_i32_0 = arith.constant 0 : i32
    %c0_i32_1 = arith.constant 0 : i32
    return %c0_i32, %c0_i32_0 : i32, i32
  }
  func.func @transform_6(%arg0: i32) -> (i32, i32) {
    %c0_i32 = arith.constant 0 : i32
    %c0_i32_0 = arith.constant 0 : i32
    %c0_i32_1 = arith.constant 0 : i32
    return %c0_i32, %c0_i32_0 : i32, i32
  }
  func.func @transform_7(%arg0: i32) -> (i32, i32) {
    %c0_i32 = arith.constant 0 : i32
    %c0_i32_0 = arith.constant 0 : i32
    %c0_i32_1 = arith.constant 0 : i32
    return %c0_i32, %c0_i32_0 : i32, i32
  }
  func.func @transform_8(%arg0: i32) -> (i32, i32) {
    %c0_i32 = arith.constant 0 : i32
    %c0_i32_0 = arith.constant 0 : i32
    %c0_i32_1 = arith.constant 0 : i32
    return %c0_i32, %c0_i32_0 : i32, i32
  }
  func.func @transform_9(%arg0: i32) -> (i32, i32) {
    %c0_i32 = arith.constant 0 : i32
    %c0_i32_0 = arith.constant 0 : i32
    %c0_i32_1 = arith.constant 0 : i32
    return %c0_i32, %c0_i32_0 : i32, i32
  }
  func.func @transform_10(%arg0: i32) -> (i32, i32) {
    %c0_i32 = arith.constant 0 : i32
    %c0_i32_0 = arith.constant 0 : i32
    %c0_i32_1 = arith.constant 0 : i32
    return %c0_i32, %c0_i32_0 : i32, i32
  }
  func.func @transform_11(%arg0: i32) -> (i32, i32) {
    %c0_i32 = arith.constant 0 : i32
    %c0_i32_0 = arith.constant 0 : i32
    %c0_i32_1 = arith.constant 0 : i32
    return %c0_i32, %c0_i32_0 : i32, i32
  }
  func.func @transform_12(%arg0: i32) -> (i32, i32) {
    %c0_i32 = arith.constant 0 : i32
    %c0_i32_0 = arith.constant 0 : i32
    %c0_i32_1 = arith.constant 0 : i32
    return %c0_i32, %c0_i32_0 : i32, i32
  }
  func.func @transform_13(%arg0: i32) -> (i32, i32) {
    %c0_i32 = arith.constant 0 : i32
    %c0_i32_0 = arith.constant 0 : i32
    return %arg0, %c0_i32 : i32, i32
  }
}

</mosaic_0001>

<sc_bundles>
// kernel: kernel.5.cloned.1.call-start
scs
__scs_entry_jumppad:
0x0: {  	(pc) =	sbr.rel $0x88, $3  }
0x1: {  	(tag) =	ssettag $0x0;
	lr =	simm.s32 $0x1  }
0x2: {  	[smem:$0x3F94] =	sst lr;
	_ =	strace $0xD0000000  }
0x3: {  	_ = 	snop  }
0x4: {  	_ = 	snop  }
0x5: {  	_ = 	snop  }
0x6: {  	_ = 	snop  }
0x7: {  	_ = 	snop  }
__scs_overlays_trampoline_lowered:
0x8: {  	[smem:$0x3FA3] =	sst s0  }
0x9: {  	[smem:$0x3FA4] =	sst s1  }
0xa: {  	[smem:$0x3FA5] =	sst s2  }
0xb: {  	[smem:$0x3FA6] =	sst s3  }
0xc: {  	[smem:$0x3FA7] =	sst s4  }
0xd: {  	[smem:$0x3FA8] =	sst s5  }
0xe: {  	[smem:$0x3FA9] =	sst s6  }
0xf: {  	[smem:$0x3FAA] =	sst s7  }
0x10: {  	[smem:$0x3FAB] =	sst s8  }
0x11: {  	[smem:$0x3FAC] =	sst s9;
	s0 =	simm.s32 @!p0 $0x0  }
0x12: {  	s1 =	sld [smem:$0x3F92];
	s0 =	simm.s32 @p0 $0x1  }
0x13: {  	[smem:$0x3FAD] =	sst s0;
	s0 =	simm.s32 @!p1 $0x0  }
0x14: {  	s2 =	sld [smem:$0x3F91];
	s0 =	simm.s32 @p1 $0x1  }
0x15: {  	[smem:$0x3FAE] =	sst s0;
	s0 =	simm.s32 @!p2 $0x0  }
0x16: {  	s3 =	sld [smem:$0x3FDB];
	s0 =	simm.s32 @p2 $0x1  }
0x17: {  	s4 =	simm.s32 $0x1BF5;
	[smem:$0x3FB0] =	sst s0  }
0x18: {  	s0 =	sld [smem:$0x3F93];
	_ =	swait.ge [sflag:s4], $0x0  }
0x19: {  	s7 =	sld [smem:$0x3F94]  }
0x1a: {  	s8 =	sadd.s32 $0xFFFFE003, lr  }
0x1b: {  	s9 =	sadd.s32 $0xFFFFFEF7, lr;
	s5 =	simm.s32 $0xFFFFFFFF;
	p2 =	slt.u32 s8, $0xFFFFF086  }
0x1c: {  	p1 =	slt.u32 s9, $0xF7A;
	s5 =	simm.s32 @!p2 $0x0  }
0x1d: {  	s5 =	simm.s32 @p1 $0x1;
	p0 =	seq.s32 s7, s2  }
0x1e: {  	s7 =	smul.u32 @!p0 $0xF7A, s2;
	p2 =	seq.s32 @!p0 s5, $0x0  }
0x1f: {  	s9 =	smul.u32 $0xF7A, s1;
	s8 =	simm.s32 @!p0 $0x1BF5;
	p2 =	por !p2, p0  }
0x20: {  	[sflag:s8] =	ssyncset.s32 @!p0 $0xFFFFF086;
	s6 =	sadd.s32 @!p0 s3, s7;
	s7 =	simm.s32 @!p0 $0x108  }
0x21: {  	s3 =	sadd.s32 s3, s9;
	s6 =	sadd.s32 @!p0 $0x88, s6;
	s7 =	simm.s32 @p2 $0x1082  }
0x22: {  	[simem:s7], [sflag:s8] =	dma.local @!p0 [hbm:s6], $0xF7A  }
0x23: {  	s9 =	sor.u32 $0xD0000000, s2;
	s6 =	simm.s32 $0x108;
	_ =	swait.ge @!p0 [sflag:s8], $0x0  }
0x24: {  	s3 =	sadd.s32 $0x88, s3;
	s6 =	simm.s32 @!p1 $0x1082;
	[sflag:s4] =	ssyncset.s32 $0xFFFFF086  }
0x25: {  	[simem:s6], [sflag:s4] =	dma.local [hbm:s3], $0xF7A  }
0x26: {  	[smem:$0x3F94] =	sst s1;
	(tag) =	ssettag s2;
	_ =	strace s9  }
0x27: {  	s1 =	sld [smem:$0x3FA4]  }
0x28: {  	s2 =	sld [smem:$0x3FA5]  }
0x29: {  	s4 =	sld [smem:$0x3FA7]  }
0x2a: {  	p0 =	seq.s32 s5, $0x0;
	s5 =	sld [smem:$0x3FA8]  }
0x2b: {  	s6 =	sld [smem:$0x3FA9]  }
0x2c: {  	s7 =	sld [smem:$0x3FAA]  }
0x2d: {  	s3 =	simm.s32 $0x108;
	s8 =	sld [smem:$0x3FAB]  }
0x2e: {  	s3 =	simm.s32 @!p0 $0x1082;
	s9 =	sld [smem:$0x3FAC]  }
0x2f: {  	lr =	sadd.s32 s0, s3;
	s0 =	sld [smem:$0x3FA3]  }
0x30: {  	s3 =	sld [smem:$0x3FA6]  }
0x31: {  	[smem:$0x3FAF] =	sst s10  }
0x32: {  	s10 =	sld [smem:$0x3FAD];
	_ =	sdelay $0x3  }
0x33: {  	p0 =	seq.s32 s10, $0x1;
	s10 =	sld [smem:$0x3FAF];
	_ =	sdelay $0x3  }
0x34: {  	[smem:$0x3FAF] =	sst s10  }
0x35: {  	s10 =	sld [smem:$0x3FAE];
	_ =	sdelay $0x3  }
0x36: {  	p1 =	seq.s32 s10, $0x1;
	s10 =	sld [smem:$0x3FAF];
	_ =	sdelay $0x3  }
0x37: {  	[smem:$0x3FAF] =	sst s10  }
0x38: {  	s10 =	sld [smem:$0x3FB0]  }
0x39: {  	_ = 	snop;
	(pc) =	sbr.ind lr, $3  }
0x3a: {  	_ = 	snop  }
0x3b: {  	_ = 	snop  }
0x3c: {  	p2 =	seq.s32 s10, $0x1;
	s10 =	sld [smem:$0x3FAF]  }
0x3d: {  	_ =	shalt  }
0x3e: {  	_ =	shalt  }
0x3f: {  	_ =	shalt  }
0x40: {  	_ =	shalt  }
0x41: {  	_ =	shalt  }
0x42: {  	_ =	shalt  }
0x43: {  	_ =	shalt  }
0x44: {  	_ =	shalt  }
0x45: {  	_ =	shalt  }
0x46: {  	_ =	shalt  }
0x47: {  	_ =	shalt  }
0x48: {  	_ =	shalt  }
0x49: {  	_ =	shalt  }
0x4a: {  	_ =	shalt  }
0x4b: {  	_ =	shalt  }
0x4c: {  	_ =	shalt  }
0x4d: {  	_ =	shalt  }
0x4e: {  	_ =	shalt  }
0x4f: {  	_ =	shalt  }
0x50: {  	_ =	shalt  }
0x51: {  	_ =	shalt  }
0x52: {  	_ =	shalt  }
0x53: {  	_ =	shalt  }
0x54: {  	_ =	shalt  }
0x55: {  	_ =	shalt  }
0x56: {  	_ =	shalt  }
0x57: {  	_ =	shalt  }
0x58: {  	_ =	shalt  }
0x59: {  	_ =	shalt  }
0x5a: {  	_ =	shalt  }
0x5b: {  	_ =	shalt  }
0x5c: {  	_ =	shalt  }
0x5d: {  	_ =	shalt  }
0x5e: {  	_ =	shalt  }
0x5f: {  	_ =	shalt  }
0x60: {  	_ =	shalt  }
0x61: {  	_ =	shalt  }
0x62: {  	_ =	shalt  }
0x63: {  	_ =	shalt  }
0x64: {  	_ =	shalt  }
0x65: {  	_ =	shalt  }
0x66: {  	_ =	shalt  }
0x67: {  	_ =	shalt  }
0x68: {  	_ =	shalt  }
0x69: {  	_ =	shalt  }
0x6a: {  	_ =	shalt  }
0x6b: {  	_ =	shalt  }
0x6c: {  	_ =	shalt  }
0x6d: {  	_ =	shalt  }
0x6e: {  	_ =	shalt  }
0x6f: {  	_ =	shalt  }
0x70: {  	_ =	shalt  }
0x71: {  	_ =	shalt  }
0x72: {  	_ =	shalt  }
0x73: {  	_ =	shalt  }
0x74: {  	_ =	shalt  }
0x75: {  	_ =	shalt  }
0x76: {  	_ =	shalt  }
0x77: {  	_ =	shalt  }
0x78: {  	_ =	shalt  }
0x79: {  	_ =	shalt  }
0x7a: {  	_ =	shalt  }
0x7b: {  	_ =	shalt  }
0x7c: {  	_ =	shalt  }
0x7d: {  	_ =	shalt  }
0x7e: {  	_ =	shalt  }
0x7f: {  	_ =	shalt  }
0x80: {  	_ =	shalt  }
0x81: {  	_ =	shalt  }
0x82: {  	_ =	shalt  }
0x83: {  	_ =	shalt  }
0x84: {  	_ =	shalt  }
0x85: {  	_ =	shalt  }
0x86: {  	_ =	shalt  }
0x87: {  	_ =	shalt  }
.Lfunc_end0:
.L_simem_size_0:
called_computation_lowered:
.L_overlay_start_0:
0x88: {  	s2 =	sld [smem:$0x3FD9]  }
0x89: {  	s3 =	sld [smem:$0x3FFE];
	_ =	sdelay $0x1  }
0x8a: {  	s1 =	srdreg.scid  }
0x8b: {  	s0 =	sand.u32 $0x1, s1  }
0x8c: {  	s17 =	sshll.u32 s0, $0xA;
	s2 =	sadd.s32 s3, s2  }
0x8d: {  	s2 =	sadd.s32 s2, s17  }
0x8e: {  	[smem:$0x3FBB] =	sst s2  }
0x8f: {  	_ = 	snop  }
0x90: {  	s2 =	sld [smem:$0x3FD0];
	(tm) =	ssettm $0x1  }
0x91: {  	s18 =	sld [smem:$0x3FFB];
	_ =	sdelay $0x3  }
0x92: {  	_ =	strace s18  }
0x93: {  	s3 =	sld [smem:$0x3FFC];
	_ =	sdelay $0x3  }
0x94: {  	_ =	strace s3  }
0x95: {  	s3 =	sld [smem:$0x3FFD];
	_ =	sdelay $0x3  }
0x96: {  	_ =	strace s3  }
0x97: {  	_ =	strace $0x8FFFFFFF  }
0x98: {  	s19 =	sld [smem:$0x3FDB];
	_ =	sdelay $0x1  }
0x99: {  	s4 =	simm.s32 $_scs_section_size  }
0x9a: {  	s5 =	simm.s32 $_size__tile_overlayer_lowered;
	s6 =	simm.s32 $_tile_overlayer_lowered  }
0x9b: {  	s22 =	simm.s32 $0x1BFF;
	s21 =	sshll.u32 s6, $0x1;
	s3 =	sadd.s32 s4, s19  }
0x9c: {  	s7 =	simm.s32 $0x0;
	s20 =	sshll.u32 s5, $0x1;
	s5 =	sadd.s32 s21, s3  }
0x9d: {  	[timem:s7], [sflag:s22] =	dma.local [hbm:s5], s20  }
0x9e: {  	_ =	swait.ge [sflag:s22], s20  }
0x9f: {  	s4 =	ssub.s32 $0x0, s20;
	[sflag:s22] =	ssyncset.done $0x0  }
0xa0: {  	[sflag:s22] =	ssyncadd.s32 s4;
	_ =	sdelay $0x1  }
0xa1: {  	s23 =	simm.s32 $0x1B8B  }
0xa2: {  	_ =	swait.ge [sflag:s23], $0x1  }
0xa3: {  	[sflag:s23] =	ssyncset.done $0x0  }
0xa4: {  	s25 =	simm.s32 $0x1B8E;
	s24 =	sld [smem:$0x3FFE];
	[sflag:s23] =	ssyncadd.s32 $0xFFFFFFFF  }
0xa5: {  	s26 =	simm.s32 $execute0_lowered;
	[smem:$0x3FD2] =	sst s25  }
0xa6: {  	s5 =	sshll.u32 s26, $0x1;
	_ =	strace $0x80000046;
	[dreg:$0x1] =	wrdreg $0xFFFFFFFF  }
0xa7: {  	s28 =	simm.s32 $_size_execute0_lowered;
	s3 =	sadd.s32 s3, s5;
	[dreg:$0x0] =	wrdreg $0x0  }
0xa8: {  	s5 =	sshll.u32 s28, $0x1;
	[dreg:$0x2] =	wrdreg s3  }
0xa9: {  	[dreg:$0x3] =	wrdreg s5  }
0xaa: {  	[dreg:$0x4] =	wrdreg $0xC0  }
0xab: {  	_ =	task [dreg:s7], $0x5FFFF  }
0xac: {  	[dreg:$0x1] =	wrdreg $0xFFFFFFFF  }
0xad: {  	[dreg:$0x0] =	wrdreg $0x60  }
0xae: {  	[dreg:$0x2] =	wrdreg s24  }
0xaf: {  	[dreg:$0x3] =	wrdreg s2  }
0xb0: {  	[dreg:$0x4] =	wrdreg $0x9  }
0xb1: {  	_ =	task.clear_ibuf [dreg:s7], $0x5FFFF;
	_ =	strace $0x90000046  }
0xb2: {  	s29 =	simm.s32 $0x9;
	_ =	strace $0x80000048  }
0xb3: {  	_ =	swait.ge [sflag:s29], $0x1  }
0xb4: {  	[sflag:s29] =	ssyncadd.s32 $0xFFFFFFFF  }
0xb5: {  	_ =	strace $0x90000048  }
0xb6: {  	_ =	sfence  }
0xb7: {  	s30 =	sld [smem:$0x0];
	_ =	sdelay $0x2  }
0xb8: {  	s31 =	sshll.u32 s1, $0xD;
	s1 =	sshrl.u32 s1, $0x2  }
0xb9: {  	s3 =	sand.u32 $0x4000, s31;
	s1 =	sadd.s32 s1, s30  }
0xba: {  	s0 =	sor.u32 s3, s0;
	s1 =	sshll.u32 s1, $0x11  }
0xbb: {  	s0 =	sor.u32 s1, s0  }
0xbc: {  	s0 =	sadd.s32 $0x8F2B, s0  }
0xbd: {  	[sflag:s0] =	ssyncadd.remote.s32 $0x1  }
0xbe: {  	_ =	sfence.sel $0xFFFF  }
0xbf: {  	[dreg:$0x0] =	wrdreg $0xFFFFFFFF;
	(pc) =	sbr.abs _section_cstart, $3  }
0xc0: {  	[dreg:$0x1] =	wrdreg $0xFFFFFFFF  }
0xc1: {  	_ =	task.clear_ibuf [dreg:s7], $0x2FFFF;
	_ =	strace $0x9FFFFFFF  }
0xc2: {  	(tm) =	ssettm $0x7FFFFFFF  }
0xc3: {  	_ =	shalt  }
tec
execute0_lowered:
.L_overlay_start_1:
0x0: {  	(tag) =	ssettag $0x1  }
0x1: {  	s1 =	srdreg.scid;
	s0 =	stileid.u32  }
0x2: {  	s12 =	rddreg [dreg:$0x0];
	s13 =	sand.u32 $0x1, s1;
	s31 =	sshll.u32 s0, $0x1  }
0x3: {  	s3 =	rddreg [dreg:$0x1];
	s14 =	sor.u32 s13, s31  }
0x4: {  	s2 =	simm.s32 $0x0;
	s1 =	rddreg [dreg:$0x2];
	s4 =	smul.u32 $0x30, s14  }
0x5: {  	[smem:$0x7FF] =	sst s2  }
0x6: {  	_ =	strace $0x80000047;
	s4 =	sadd.s32 s3, s4;
	s3 =	simm.s32 $0x2  }
0x7: {  	[tilespmem:s2], [sflag:$0x2] =	stream.linear.gather [hbm4b:s4+s2], $0x180, $0x38;
	[tilespmem:$0x1980] =	vst v63  }
0x8: {  	_ =	swait.ge [sflag:s3], $0x180  }
0x9: {  	s6 =	simm.s32 $0x80;
	[sflag:s3] =	ssyncset.done $0x0  }
0xa: {  	s7 =	simm.s32 $0x180;
	s5 =	sadd.s32 $0x1C00, s12;
	[sflag:s3] =	ssyncadd.s32 $0xFFFFFE80  }
0xb: {  	[tilespmem:s7], [sflag:$0x1] =	stream.indirect.gather [hbm4b:s5+s6], $0x10, s2, s6, $0xb8;
	[tilespmem:$0x1980] =	vst v63  }
0xc: {  	s8 =	simm.s32 $0x980  }
0xd: {  	[tilespmem:s8], [sflag:$0x1] =	stream.indirect.gather [hbm4b:s5+s6], $0x10, s6, s6, $0xb8;
	[tilespmem:$0x1980] =	vst v63  }
0xe: {  	s9 =	simm.s32 $0x100;
	s10 =	simm.s32 $0x1180;
	s11 =	simm.s32 $0x1  }
0xf: {  	[tilespmem:s10], [sflag:$0x1] =	stream.indirect.gather [hbm4b:s5+s6], $0x10, s9, s6, $0xb8;
	[tilespmem:$0x1980] =	vst v63  }
0x10: {  	_ =	swait.ge [sflag:s11], $0x800  }
0x11: {  	[sflag:s11] =	ssyncset.done $0x0  }
0x12: {  	s13 =	ssub.s32 $0x2, s13;
	[sflag:s11] =	ssyncadd.s32 $0xFFFFF800  }
0x13: {  	s15 =	sshrl.u32 s13, $0x1;
	_ =	swait.ge [sflag:s11], $0x800  }
0x14: {  	s13 =	ssub.s32 s13, s15;
	[sflag:s11] =	ssyncset.done $0x0  }
0x15: {  	s14 =	smul.u32 $0x300, s14;
	s13 =	smax.u32 s13, $0x1;
	[sflag:s11] =	ssyncadd.s32 $0xFFFFF800  }
0x16: {  	p0 =	sne.s32 s13, $0x1;
	_ =	swait.ge [sflag:s11], $0x800  }
.Ltmp0:
0x17: {  	s12 =	sadd.s32 s14, s12;
	[sflag:s11] =	ssyncset.done $0x0;
	(pc) =	sbr.rel @!p0 .LBB2_2-.Ltmp0, $4  }
0x18: {  	s12 =	sadd.s32 $0x3C00, s12;
	[sflag:s11] =	ssyncadd.s32 $0xFFFFF800  }
0x19: {  	[hbm4b:s12+s2] =	stream.linear.scatter [tilespmem:s7], [sflag:$0x2], $0x1800, $0x38;
	[tilespmem:$0x1980] =	vst v63  }
0x1a: {  	_ =	swait.ge [sflag:s3], $0x1800  }
0x1b: {  	s13 =	sadd.s32 $0xFFFFFFFF, s13;
	[sflag:s3] =	ssyncset.done $0x0  }
.LBB2_1:
0x1c: {  	p0 =	sne.s32 s13, $0x1;
	s13 =	sadd.s32 $0xFFFFFFFF, s13;
	[sflag:s3] =	ssyncadd.s32 $0xFFFFE800  }
0x1d: {  	[tilespmem:s2], [sflag:$0x2] =	stream.linear.gather [hbm4b:s4+s2], $0x180, $0x38;
	[tilespmem:$0x1980] =	vst v63  }
0x1e: {  	_ =	swait.ge [sflag:s3], $0x180  }
0x1f: {  	[sflag:s3] =	ssyncset.done $0x0  }
0x20: {  	[sflag:s3] =	ssyncadd.s32 $0xFFFFFE80  }
0x21: {  	[tilespmem:s7], [sflag:$0x1] =	stream.indirect.gather [hbm4b:s5+s6], $0x10, s2, s6, $0xb8;
	[tilespmem:$0x1980] =	vst v63  }
0x22: {  	_ = 	snop  }
0x23: {  	[tilespmem:s8], [sflag:$0x1] =	stream.indirect.gather [hbm4b:s5+s6], $0x10, s6, s6, $0xb8;
	[tilespmem:$0x1980] =	vst v63  }
0x24: {  	_ = 	snop  }
0x25: {  	[tilespmem:s10], [sflag:$0x1] =	stream.indirect.gather [hbm4b:s5+s6], $0x10, s9, s6, $0xb8;
	[tilespmem:$0x1980] =	vst v63  }
0x26: {  	_ =	swait.ge [sflag:s11], $0x800  }
0x27: {  	[sflag:s11] =	ssyncset.done $0x0  }
0x28: {  	[sflag:s11] =	ssyncadd.s32 $0xFFFFF800  }
0x29: {  	_ =	swait.ge [sflag:s11], $0x800  }
0x2a: {  	[sflag:s11] =	ssyncset.done $0x0  }
0x2b: {  	[sflag:s11] =	ssyncadd.s32 $0xFFFFF800  }
0x2c: {  	_ =	swait.ge [sflag:s11], $0x800  }
.Ltmp1:
0x2d: {  	[sflag:s11] =	ssyncset.done $0x0;
	(pc) =	sbr.rel @p0 .LBB2_1-.Ltmp1, $4  }
0x2e: {  	[sflag:s11] =	ssyncadd.s32 $0xFFFFF800  }
0x2f: {  	[hbm4b:s12+s2] =	stream.linear.scatter [tilespmem:s7], [sflag:$0x2], $0x1800, $0x38;
	[tilespmem:$0x1980] =	vst v63  }
0x30: {  	_ =	swait.ge [sflag:s3], $0x1800  }
0x31: {  	[sflag:s3] =	ssyncset.done $0x0  }
.LBB2_2:
0x32: {  	[sflag:s3] =	ssyncadd.s32 $0xFFFFE800  }
0x33: {  	_ =	sfence.sel $0x180000  }
0x34: {  	[bflag:$0x0] =	sbarrier.arrive $0xFFFF  }
0x35: {  	p0 =	sne.s32 s0, $0x0;
	_ =	strace $0x90000047  }
0x36: {  	s0 =	sadd.s32 @!p0 $0x100000, s1;
	[bflag:$0x2] =	sbarrier.arrive $0xFFFF  }
0x37: {  	[sflag:s0] =	ssyncadd.tile.s32 @!p0 $0x1;
	_ =	shalt  }
.Lfunc_end2:
_tile_overlayer_lowered:
.L_overlay_start_2:
0x38: {  	(tag) =	ssettag $0x2  }
0x39: {  	s0 =	rddreg [dreg:$0x0];
	s2 =	stileid.u32  }
0x3a: {  	s1 =	rddreg [dreg:$0x1];
	p0 =	sne.s32 s2, $0x0  }
0x3b: {  	s3 =	rddreg [dreg:$0x2];
	[bflag:$0x3] =	sbarrier.arrive $0xFFFF;
	s2 =	simm.s32 @!p0 $0x1C02  }
0x3c: {  	[timem:s3], [sflag:s2] =	dma.local @!p0 [hbm:s0], s1  }
0x3d: {  	s0 =	simm.s32 @!p0 $0x2  }
0x3e: {  	_ =	swait.ge @!p0 [sflag:s0], s1  }
0x3f: {  	s1 =	ssub.s32 @!p0 $0x0, s1;
	[sflag:s0] =	ssyncset.done @!p0 $0x0  }
0x40: {  	[sflag:s0] =	ssyncadd.s32 @!p0 s1  }
0x41: {  	[bflag:$0x3] =	sbarrier.arrive $0xFFFF  }
0x42: {  	_ =	shalt  }

</sc_bundles>
